<compile_context>
chip_gen: v7x
topology: tpu7x:2x2x1
jax: 0.10.2.dev20260603
libtpu: 0.0.44.dev20260713+nightly
codegen_flags: <defaults>
</compile_context>

<pallas_src>
import functools
import math

import jax
import jax.numpy as jnp
from jax import lax
from jax.experimental import pallas as pl
from jax.experimental.pallas import tpu as pltpu
from jax.experimental.pallas import tpu_sc as plsc

D_MODEL = 64
VOCAB = 1000000
ROWS = 4096
COLS = 200
B = ROWS * COLS
NW = 32
PER_W = B // NW
K = 128
NCHUNK = PER_W // K
NBUF = 4
SCALE = math.sqrt(D_MODEL)

_mesh = plsc.VectorSubcoreMesh(core_axis_name="c", subcore_axis_name="s")


@functools.partial(
    pl.kernel,
    mesh=_mesh,
    out_type=jax.ShapeDtypeStruct((B, D_MODEL), jnp.float32),
    compiler_params=pltpu.CompilerParams(use_tc_tiling_on_sc=False),
    scratch_types=[
        pltpu.VMEM((NCHUNK, K), jnp.int32),
        pltpu.VMEM((NBUF, K, D_MODEL), jnp.float32),
        pltpu.SemaphoreType.DMA((NBUF,)),
        pltpu.SemaphoreType.DMA((NBUF,)),
    ],
)
def _embed(x_hbm, lut_hbm, out_hbm, idx_v, rows_v, gsem, wsem):
    wid = lax.axis_index("s") * 2 + lax.axis_index("c")
    row_base = wid * PER_W

    pltpu.sync_copy(x_hbm.at[wid], idx_v)

    def start_gather(c, b):
        pltpu.async_copy(lut_hbm.at[idx_v.at[c]], rows_v.at[b], gsem.at[b])

    def wait_gather(c, b):
        pltpu.make_async_copy(
            lut_hbm.at[idx_v.at[c]], rows_v.at[b], gsem.at[b]
        ).wait()

    def start_write(c, b):
        pltpu.async_copy(
            rows_v.at[b], out_hbm.at[pl.ds(row_base + c * K, K)], wsem.at[b]
        )

    def wait_write(c, b):
        pltpu.make_async_copy(
            rows_v.at[b], out_hbm.at[pl.ds(row_base + c * K, K)], wsem.at[b]
        ).wait()

    for b in range(NBUF):
        start_gather(b, b)

    def outer(g, carry):
        for b in range(NBUF):
            c = g * NBUF + b
            wait_gather(c, b)

            def scale_row(r, carry2):
                for j in range(D_MODEL // 16):
                    sl = pl.ds(j * 16, 16)
                    rows_v[b, r, sl] = rows_v[b, r, sl] * SCALE
                return carry2

            lax.fori_loop(0, K, scale_row, 0, unroll=2)
            start_write(c, b)

            @pl.when(c + NBUF < NCHUNK)
            def _():
                wait_write(c, b)
                start_gather(c + NBUF, b)

        return carry

    lax.fori_loop(0, NCHUNK // NBUF, outer, 0)

    for b in range(NBUF):
        wait_write(NCHUNK - NBUF + b, b)


@jax.jit
def kernel(x, lut):
    xf = x.reshape(NW, NCHUNK, K)
    out = _embed(xf, lut)
    return out.reshape(ROWS, COLS, D_MODEL)

# --- scband reference (transcript-rebuilt; emitter-appended) ---
"""Pipeline reference for scband-embeddings-27728308863482 (READ-ONLY COPY).

The authoritative reference and input builder live on the scoring server;
editing this copy changes nothing except your own understanding.
"""

import jax, jax.numpy as jnp
import numpy as np
import math

D_MODEL = 64
VOCAB = 1000000

def setup_inputs(seed: int = 0) -> dict:
    key = jax.random.key(seed)
    k1, k2 = jax.random.split(key)
    x = jax.random.randint(k1, (4096, 200), 0, VOCAB, dtype=jnp.int64 if jax.config.jax_enable_x64 else jnp.int32).astype(jnp.int32)
    lut = jax.random.normal(k2, (VOCAB, D_MODEL), dtype=jnp.float32)
    return {"x": x, "lut": lut}

def reference(x, lut):
    # Embeddings.forward: self.lut(x) * sqrt(d_model)
    embed = jnp.take(lut, x, axis=0) * math.sqrt(D_MODEL)
    return embed

if __name__ == "__main__":
    import jax
    _d = setup_inputs()
    print(jax.jit(kernel)(*tuple(_d.values())))

</pallas_src>

<mosaic_0001>
#map = affine_map<(d0, d1) -> (0, 0, 0)>
#map1 = affine_map<(d0, d1) -> (0, 0)>
module attributes {stable_mosaic.version = 14 : i64} {
  func.func @_embed(%arg0: i32, %arg1: i32, %arg2: memref<32x200x128xi32, #tpu.memory_space<hbm>>, %arg3: memref<1000000x64xf32, #tpu.memory_space<hbm>>, %arg4: memref<819200x64xf32, #tpu.memory_space<hbm>>, %arg5: memref<200x128xi32, #tpu.memory_space<vmem>>, %arg6: memref<4x128x64xf32, #tpu.memory_space<vmem>>, %arg7: memref<4x!tpu.dma_semaphore, #tpu.memory_space<semaphore_mem>>, %arg8: memref<4x!tpu.dma_semaphore, #tpu.memory_space<semaphore_mem>>) attributes {dimension_semantics = [#tpu.dimension_semantics<core_parallel>, #tpu.dimension_semantics<subcore_parallel>], iteration_bounds = array<i64: 2, 16>, scalar_prefetch = 0 : i64, scratch_operands = 4 : i64, tpu.core_type = #tpu.core_type<sc_vector_subcore>, window_params = [{transform_indices = #map}, {transform_indices = #map1}, {transform_indices = #map1}]} {
    %mul3A = arith.constant 2 : i32
    %mul3A_0 = arith.muli %arg1, %mul3A : i32
    %add3A = arith.addi %mul3A_0, %arg0 : i32
    %mul3A_1 = arith.constant 25600 : i32
    %mul3A_2 = arith.muli %add3A, %mul3A_1 : i32
    "tpu.region"() ({
      %run_scoped3A = tpu.sem_alloc : memref<!tpu.dma_semaphore, #tpu.memory_space<semaphore_mem>>
      %dma_start3A_138 = arith.constant 0 : i32
      %dma_start3A_139 = arith.constant 0 : i32
      %dma_start3A_140 = tpu.memref_slice %arg2[%add3A, %dma_start3A_138, %dma_start3A_139] : memref<32x200x128xi32, #tpu.memory_space<hbm>> -> memref<1x200x128xi32, #tpu.memory_space<hbm>>
      %dma_start3A_141 = tpu.memref_squeeze %dma_start3A_140 : memref<1x200x128xi32, #tpu.memory_space<hbm>> -> memref<200x128xi32, #tpu.memory_space<hbm>>
      %dma_start3A_142 = arith.constant 0 : i32
      %dma_start3A_143 = arith.constant 0 : i32
      %dma_start3A_144 = tpu.memref_slice %arg2[%add3A, %dma_start3A_142, %dma_start3A_143] : memref<32x200x128xi32, #tpu.memory_space<hbm>> -> memref<1x200x128xi32, #tpu.memory_space<hbm>>
      %dma_start3A_145 = tpu.memref_squeeze %dma_start3A_144 : memref<1x200x128xi32, #tpu.memory_space<hbm>> -> memref<200x128xi32, #tpu.memory_space<hbm>>
      tpu.enqueue_dma source(%dma_start3A_145 : memref<200x128xi32, #tpu.memory_space<hbm>>) target(%arg5 : memref<200x128xi32, #tpu.memory_space<vmem>>) target_semaphore(%run_scoped3A : memref<!tpu.dma_semaphore, #tpu.memory_space<semaphore_mem>>)
      %dma_wait3A_146 = arith.constant 0 : i32
      %dma_wait3A_147 = arith.constant 0 : i32
      %dma_wait3A_148 = tpu.memref_slice %arg2[%add3A, %dma_wait3A_146, %dma_wait3A_147] : memref<32x200x128xi32, #tpu.memory_space<hbm>> -> memref<1x200x128xi32, #tpu.memory_space<hbm>>
      %dma_wait3A_149 = tpu.memref_squeeze %dma_wait3A_148 : memref<1x200x128xi32, #tpu.memory_space<hbm>> -> memref<200x128xi32, #tpu.memory_space<hbm>>
      %dma_wait3A_150 = arith.constant 0 : i32
      %dma_wait3A_151 = arith.constant 0 : i32
      %dma_wait3A_152 = tpu.memref_slice %arg2[%add3A, %dma_wait3A_150, %dma_wait3A_151] : memref<32x200x128xi32, #tpu.memory_space<hbm>> -> memref<1x200x128xi32, #tpu.memory_space<hbm>>
      %dma_wait3A_153 = tpu.memref_squeeze %dma_wait3A_152 : memref<1x200x128xi32, #tpu.memory_space<hbm>> -> memref<200x128xi32, #tpu.memory_space<hbm>>
      tpu.wait_dma2 semaphore(%run_scoped3A : memref<!tpu.dma_semaphore, #tpu.memory_space<semaphore_mem>>) src(%dma_wait3A_153 : memref<200x128xi32, #tpu.memory_space<hbm>>) dst(%arg5 : memref<200x128xi32, #tpu.memory_space<vmem>>)
      tpu.yield
    }) : () -> ()
    %dma_start3A = arith.constant 0 : i32
    %dma_start3A_3 = arith.constant 0 : i32
    %dma_start3A_4 = arith.constant 0 : i32
    %dma_start3A_5 = arith.constant 0 : i32
    %dma_start3A_6 = arith.constant 0 : i32
    %dma_start3A_7 = tpu.memref_slice %arg6[%dma_start3A_3, %dma_start3A_5, %dma_start3A_6] : memref<4x128x64xf32, #tpu.memory_space<vmem>> -> memref<1x128x64xf32, #tpu.memory_space<vmem>>
    %dma_start3A_8 = tpu.memref_squeeze %dma_start3A_7 : memref<1x128x64xf32, #tpu.memory_space<vmem>> -> memref<128x64xf32, #tpu.memory_space<vmem>>
    %dma_start3A_9 = arith.constant 0 : i32
    %dma_start3A_10 = tpu.memref_slice %arg5[%dma_start3A, %dma_start3A_9] : memref<200x128xi32, #tpu.memory_space<vmem>> -> memref<1x128xi32, #tpu.memory_space<vmem>>
    %dma_start3A_11 = tpu.memref_squeeze %dma_start3A_10 : memref<1x128xi32, #tpu.memory_space<vmem>> -> memref<128xi32, #tpu.memory_space<vmem>>
    %dma_start3A_12 = arith.constant 0 : i32
    %dma_start3A_13 = arith.constant 0 : i32
    %dma_start3A_14 = tpu.memref_slice %arg3[%dma_start3A_12, %dma_start3A_13] : memref<1000000x64xf32, #tpu.memory_space<hbm>> -> memref<1000000x64xf32, #tpu.memory_space<hbm>>
    %dma_start3A_15 = tpu.memref_slice %arg7[%dma_start3A_4] : memref<4x!tpu.dma_semaphore, #tpu.memory_space<semaphore_mem>> -> memref<1x!tpu.dma_semaphore, #tpu.memory_space<semaphore_mem>>
    %dma_start3A_16 = tpu.memref_squeeze %dma_start3A_15 : memref<1x!tpu.dma_semaphore, #tpu.memory_space<semaphore_mem>> -> memref<!tpu.dma_semaphore, #tpu.memory_space<semaphore_mem>>
    tpu.enqueue_indirect_dma source(%dma_start3A_14 : memref<1000000x64xf32, #tpu.memory_space<hbm>>) target(%dma_start3A_8 : memref<128x64xf32, #tpu.memory_space<vmem>>) offsets(%dma_start3A_11 : memref<128xi32, #tpu.memory_space<vmem>>) semaphore(%dma_start3A_16 : memref<!tpu.dma_semaphore, #tpu.memory_space<semaphore_mem>>)
    %dma_start3A_17 = arith.constant 1 : i32
    %dma_start3A_18 = arith.constant 1 : i32
    %dma_start3A_19 = arith.constant 1 : i32
    %dma_start3A_20 = arith.constant 0 : i32
    %dma_start3A_21 = arith.constant 0 : i32
    %dma_start3A_22 = tpu.memref_slice %arg6[%dma_start3A_18, %dma_start3A_20, %dma_start3A_21] : memref<4x128x64xf32, #tpu.memory_space<vmem>> -> memref<1x128x64xf32, #tpu.memory_space<vmem>>
    %dma_start3A_23 = tpu.memref_squeeze %dma_start3A_22 : memref<1x128x64xf32, #tpu.memory_space<vmem>> -> memref<128x64xf32, #tpu.memory_space<vmem>>
    %dma_start3A_24 = arith.constant 0 : i32
    %dma_start3A_25 = tpu.memref_slice %arg5[%dma_start3A_17, %dma_start3A_24] : memref<200x128xi32, #tpu.memory_space<vmem>> -> memref<1x128xi32, #tpu.memory_space<vmem>>
    %dma_start3A_26 = tpu.memref_squeeze %dma_start3A_25 : memref<1x128xi32, #tpu.memory_space<vmem>> -> memref<128xi32, #tpu.memory_space<vmem>>
    %dma_start3A_27 = arith.constant 0 : i32
    %dma_start3A_28 = arith.constant 0 : i32
    %dma_start3A_29 = tpu.memref_slice %arg3[%dma_start3A_27, %dma_start3A_28] : memref<1000000x64xf32, #tpu.memory_space<hbm>> -> memref<1000000x64xf32, #tpu.memory_space<hbm>>
    %dma_start3A_30 = tpu.memref_slice %arg7[%dma_start3A_19] : memref<4x!tpu.dma_semaphore, #tpu.memory_space<semaphore_mem>> -> memref<1x!tpu.dma_semaphore, #tpu.memory_space<semaphore_mem>>
    %dma_start3A_31 = tpu.memref_squeeze %dma_start3A_30 : memref<1x!tpu.dma_semaphore, #tpu.memory_space<semaphore_mem>> -> memref<!tpu.dma_semaphore, #tpu.memory_space<semaphore_mem>>
    tpu.enqueue_indirect_dma source(%dma_start3A_29 : memref<1000000x64xf32, #tpu.memory_space<hbm>>) target(%dma_start3A_23 : memref<128x64xf32, #tpu.memory_space<vmem>>) offsets(%dma_start3A_26 : memref<128xi32, #tpu.memory_space<vmem>>) semaphore(%dma_start3A_31 : memref<!tpu.dma_semaphore, #tpu.memory_space<semaphore_mem>>)
    %dma_start3A_32 = arith.constant 2 : i32
    %dma_start3A_33 = arith.constant 2 : i32
    %dma_start3A_34 = arith.constant 2 : i32
    %dma_start3A_35 = arith.constant 0 : i32
    %dma_start3A_36 = arith.constant 0 : i32
    %dma_start3A_37 = tpu.memref_slice %arg6[%dma_start3A_33, %dma_start3A_35, %dma_start3A_36] : memref<4x128x64xf32, #tpu.memory_space<vmem>> -> memref<1x128x64xf32, #tpu.memory_space<vmem>>
    %dma_start3A_38 = tpu.memref_squeeze %dma_start3A_37 : memref<1x128x64xf32, #tpu.memory_space<vmem>> -> memref<128x64xf32, #tpu.memory_space<vmem>>
    %dma_start3A_39 = arith.constant 0 : i32
    %dma_start3A_40 = tpu.memref_slice %arg5[%dma_start3A_32, %dma_start3A_39] : memref<200x128xi32, #tpu.memory_space<vmem>> -> memref<1x128xi32, #tpu.memory_space<vmem>>
    %dma_start3A_41 = tpu.memref_squeeze %dma_start3A_40 : memref<1x128xi32, #tpu.memory_space<vmem>> -> memref<128xi32, #tpu.memory_space<vmem>>
    %dma_start3A_42 = arith.constant 0 : i32
    %dma_start3A_43 = arith.constant 0 : i32
    %dma_start3A_44 = tpu.memref_slice %arg3[%dma_start3A_42, %dma_start3A_43] : memref<1000000x64xf32, #tpu.memory_space<hbm>> -> memref<1000000x64xf32, #tpu.memory_space<hbm>>
    %dma_start3A_45 = tpu.memref_slice %arg7[%dma_start3A_34] : memref<4x!tpu.dma_semaphore, #tpu.memory_space<semaphore_mem>> -> memref<1x!tpu.dma_semaphore, #tpu.memory_space<semaphore_mem>>
    %dma_start3A_46 = tpu.memref_squeeze %dma_start3A_45 : memref<1x!tpu.dma_semaphore, #tpu.memory_space<semaphore_mem>> -> memref<!tpu.dma_semaphore, #tpu.memory_space<semaphore_mem>>
    tpu.enqueue_indirect_dma source(%dma_start3A_44 : memref<1000000x64xf32, #tpu.memory_space<hbm>>) target(%dma_start3A_38 : memref<128x64xf32, #tpu.memory_space<vmem>>) offsets(%dma_start3A_41 : memref<128xi32, #tpu.memory_space<vmem>>) semaphore(%dma_start3A_46 : memref<!tpu.dma_semaphore, #tpu.memory_space<semaphore_mem>>)
    %dma_start3A_47 = arith.constant 3 : i32
    %dma_start3A_48 = arith.constant 3 : i32
    %dma_start3A_49 = arith.constant 3 : i32
    %dma_start3A_50 = arith.constant 0 : i32
    %dma_start3A_51 = arith.constant 0 : i32
    %dma_start3A_52 = tpu.memref_slice %arg6[%dma_start3A_48, %dma_start3A_50, %dma_start3A_51] : memref<4x128x64xf32, #tpu.memory_space<vmem>> -> memref<1x128x64xf32, #tpu.memory_space<vmem>>
    %dma_start3A_53 = tpu.memref_squeeze %dma_start3A_52 : memref<1x128x64xf32, #tpu.memory_space<vmem>> -> memref<128x64xf32, #tpu.memory_space<vmem>>
    %dma_start3A_54 = arith.constant 0 : i32
    %dma_start3A_55 = tpu.memref_slice %arg5[%dma_start3A_47, %dma_start3A_54] : memref<200x128xi32, #tpu.memory_space<vmem>> -> memref<1x128xi32, #tpu.memory_space<vmem>>
    %dma_start3A_56 = tpu.memref_squeeze %dma_start3A_55 : memref<1x128xi32, #tpu.memory_space<vmem>> -> memref<128xi32, #tpu.memory_space<vmem>>
    %dma_start3A_57 = arith.constant 0 : i32
    %dma_start3A_58 = arith.constant 0 : i32
    %dma_start3A_59 = tpu.memref_slice %arg3[%dma_start3A_57, %dma_start3A_58] : memref<1000000x64xf32, #tpu.memory_space<hbm>> -> memref<1000000x64xf32, #tpu.memory_space<hbm>>
    %dma_start3A_60 = tpu.memref_slice %arg7[%dma_start3A_49] : memref<4x!tpu.dma_semaphore, #tpu.memory_space<semaphore_mem>> -> memref<1x!tpu.dma_semaphore, #tpu.memory_space<semaphore_mem>>
    %dma_start3A_61 = tpu.memref_squeeze %dma_start3A_60 : memref<1x!tpu.dma_semaphore, #tpu.memory_space<semaphore_mem>> -> memref<!tpu.dma_semaphore, #tpu.memory_space<semaphore_mem>>
    tpu.enqueue_indirect_dma source(%dma_start3A_59 : memref<1000000x64xf32, #tpu.memory_space<hbm>>) target(%dma_start3A_53 : memref<128x64xf32, #tpu.memory_space<vmem>>) offsets(%dma_start3A_56 : memref<128xi32, #tpu.memory_space<vmem>>) semaphore(%dma_start3A_61 : memref<!tpu.dma_semaphore, #tpu.memory_space<semaphore_mem>>)
    %scan3A = arith.constant 0 : i32
    %scan3A_62 = arith.constant 0 : i32
    %scan3A_63 = arith.constant 50 : i32
    %scan3A_64 = arith.addi %scan3A_62, %scan3A_63 : i32
    %scan3A_65 = arith.constant 1 : i32
    scf.for %scan3A_138 = %scan3A_62 to %scan3A_64 step %scan3A_65  : i32 {
      %mul3A_139 = arith.constant 4 : i32
      %mul3A_140 = arith.muli %scan3A_138, %mul3A_139 : i32
      %add3A_141 = arith.constant 0 : i32
      %add3A_142 = arith.addi %mul3A_140, %add3A_141 : i32
      %dma_wait3A_143 = arith.constant 0 : i32
      %dma_wait3A_144 = arith.constant 0 : i32
      %dma_wait3A_145 = arith.constant 0 : i32
      %dma_wait3A_146 = arith.constant 0 : i32
      %dma_wait3A_147 = tpu.memref_slice %arg6[%dma_wait3A_143, %dma_wait3A_145, %dma_wait3A_146] : memref<4x128x64xf32, #tpu.memory_space<vmem>> -> memref<1x128x64xf32, #tpu.memory_space<vmem>>
      %dma_wait3A_148 = tpu.memref_squeeze %dma_wait3A_147 : memref<1x128x64xf32, #tpu.memory_space<vmem>> -> memref<128x64xf32, #tpu.memory_space<vmem>>
      %dma_wait3A_149 = arith.constant 0 : i32
      %dma_wait3A_150 = tpu.memref_slice %arg5[%add3A_142, %dma_wait3A_149] : memref<200x128xi32, #tpu.memory_space<vmem>> -> memref<1x128xi32, #tpu.memory_space<vmem>>
      %dma_wait3A_151 = tpu.memref_squeeze %dma_wait3A_150 : memref<1x128xi32, #tpu.memory_space<vmem>> -> memref<128xi32, #tpu.memory_space<vmem>>
      %dma_wait3A_152 = arith.constant 0 : i32
      %dma_wait3A_153 = arith.constant 0 : i32
      %dma_wait3A_154 = tpu.memref_slice %arg3[%dma_wait3A_152, %dma_wait3A_153] : memref<1000000x64xf32, #tpu.memory_space<hbm>> -> memref<1000000x64xf32, #tpu.memory_space<hbm>>
      %dma_wait3A_155 = tpu.memref_slice %arg7[%dma_wait3A_144] : memref<4x!tpu.dma_semaphore, #tpu.memory_space<semaphore_mem>> -> memref<1x!tpu.dma_semaphore, #tpu.memory_space<semaphore_mem>>
      %dma_wait3A_156 = tpu.memref_squeeze %dma_wait3A_155 : memref<1x!tpu.dma_semaphore, #tpu.memory_space<semaphore_mem>> -> memref<!tpu.dma_semaphore, #tpu.memory_space<semaphore_mem>>
      tpu.wait_indirect_dma semaphore(%dma_wait3A_156 : memref<!tpu.dma_semaphore, #tpu.memory_space<semaphore_mem>>) src(%dma_wait3A_154 : memref<1000000x64xf32, #tpu.memory_space<hbm>>) dst(%dma_wait3A_148 : memref<128x64xf32, #tpu.memory_space<vmem>>)
      %scan3A_157 = arith.constant 0 : i32
      %scan3A_158 = arith.constant 0 : i32
      %scan3A_159 = arith.constant 128 : i32
      %scan3A_160 = arith.addi %scan3A_158, %scan3A_159 : i32
      %scan3A_161 = arith.constant 2 : i32
      scf.for %scan3A_336 = %scan3A_158 to %scan3A_160 step %scan3A_161  : i32 {
        %get3A = arith.constant 0 : i32
        %get3A_337 = arith.index_cast %get3A : i32 to index
        %get3A_338 = arith.index_cast %scan3A_336 : i32 to index
        %get3A_339 = arith.constant 0 : index
        %get3A_340 = tpu.vector_load %arg6[%get3A_337, %get3A_338, %get3A_339] {strides = array<i32>} : memref<4x128x64xf32, #tpu.memory_space<vmem>>, vector<1x1x16xf32>,
        %get3A_341 = vector.shape_cast %get3A_340 : vector<1x1x16xf32> to vector<16xf32>
        %mul3A_342 = arith.constant 8.000000e+00 : f32
        %mul3A_343 = vector.broadcast %mul3A_342 : f32 to vector<16xf32>
        %mul3A_344 = arith.mulf %get3A_341, %mul3A_343 : vector<16xf32>
        %swap3A = arith.constant 0 : i32
        %swap3A_345 = arith.index_cast %swap3A : i32 to index
        %swap3A_346 = arith.index_cast %scan3A_336 : i32 to index
        %swap3A_347 = arith.constant 0 : index
        %swap3A_348 = tpu.vector_load %arg6[%swap3A_345, %swap3A_346, %swap3A_347] {strides = array<i32>} : memref<4x128x64xf32, #tpu.memory_space<vmem>>, vector<1x1x16xf32>,
        %swap3A_349 = vector.shape_cast %swap3A_348 : vector<1x1x16xf32> to vector<16xf32>
        %swap3A_350 = vector.shape_cast %mul3A_344 : vector<16xf32> to vector<1x1x16xf32>
        tpu.vector_store %arg6[%swap3A_345, %swap3A_346, %swap3A_347], %swap3A_350 {strides = array<i32>} : memref<4x128x64xf32, #tpu.memory_space<vmem>>, vector<1x1x16xf32>,
        %get3A_351 = arith.constant 0 : i32
        %get3A_352 = arith.index_cast %get3A_351 : i32 to index
        %get3A_353 = arith.index_cast %scan3A_336 : i32 to index
        %get3A_354 = arith.constant 16 : index
        %get3A_355 = tpu.vector_load %arg6[%get3A_352, %get3A_353, %get3A_354] {strides = array<i32>} : memref<4x128x64xf32, #tpu.memory_space<vmem>>, vector<1x1x16xf32>,
        %get3A_356 = vector.shape_cast %get3A_355 : vector<1x1x16xf32> to vector<16xf32>
        %mul3A_357 = arith.constant 8.000000e+00 : f32
        %mul3A_358 = vector.broadcast %mul3A_357 : f32 to vector<16xf32>
        %mul3A_359 = arith.mulf %get3A_356, %mul3A_358 : vector<16xf32>
        %swap3A_360 = arith.constant 0 : i32
        %swap3A_361 = arith.index_cast %swap3A_360 : i32 to index
        %swap3A_362 = arith.index_cast %scan3A_336 : i32 to index
        %swap3A_363 = arith.constant 16 : index
        %swap3A_364 = tpu.vector_load %arg6[%swap3A_361, %swap3A_362, %swap3A_363] {strides = array<i32>} : memref<4x128x64xf32, #tpu.memory_space<vmem>>, vector<1x1x16xf32>,
        %swap3A_365 = vector.shape_cast %swap3A_364 : vector<1x1x16xf32> to vector<16xf32>
        %swap3A_366 = vector.shape_cast %mul3A_359 : vector<16xf32> to vector<1x1x16xf32>
        tpu.vector_store %arg6[%swap3A_361, %swap3A_362, %swap3A_363], %swap3A_366 {strides = array<i32>} : memref<4x128x64xf32, #tpu.memory_space<vmem>>, vector<1x1x16xf32>,
        %get3A_367 = arith.constant 0 : i32
        %get3A_368 = arith.index_cast %get3A_367 : i32 to index
        %get3A_369 = arith.index_cast %scan3A_336 : i32 to index
        %get3A_370 = arith.constant 32 : index
        %get3A_371 = tpu.vector_load %arg6[%get3A_368, %get3A_369, %get3A_370] {strides = array<i32>} : memref<4x128x64xf32, #tpu.memory_space<vmem>>, vector<1x1x16xf32>,
        %get3A_372 = vector.shape_cast %get3A_371 : vector<1x1x16xf32> to vector<16xf32>
        %mul3A_373 = arith.constant 8.000000e+00 : f32
        %mul3A_374 = vector.broadcast %mul3A_373 : f32 to vector<16xf32>
        %mul3A_375 = arith.mulf %get3A_372, %mul3A_374 : vector<16xf32>
        %swap3A_376 = arith.constant 0 : i32
        %swap3A_377 = arith.index_cast %swap3A_376 : i32 to index
        %swap3A_378 = arith.index_cast %scan3A_336 : i32 to index
        %swap3A_379 = arith.constant 32 : index
        %swap3A_380 = tpu.vector_load %arg6[%swap3A_377, %swap3A_378, %swap3A_379] {strides = array<i32>} : memref<4x128x64xf32, #tpu.memory_space<vmem>>, vector<1x1x16xf32>,
        %swap3A_381 = vector.shape_cast %swap3A_380 : vector<1x1x16xf32> to vector<16xf32>
        %swap3A_382 = vector.shape_cast %mul3A_375 : vector<16xf32> to vector<1x1x16xf32>
        tpu.vector_store %arg6[%swap3A_377, %swap3A_378, %swap3A_379], %swap3A_382 {strides = array<i32>} : memref<4x128x64xf32, #tpu.memory_space<vmem>>, vector<1x1x16xf32>,
        %get3A_383 = arith.constant 0 : i32
        %get3A_384 = arith.index_cast %get3A_383 : i32 to index
        %get3A_385 = arith.index_cast %scan3A_336 : i32 to index
        %get3A_386 = arith.constant 48 : index
        %get3A_387 = tpu.vector_load %arg6[%get3A_384, %get3A_385, %get3A_386] {strides = array<i32>} : memref<4x128x64xf32, #tpu.memory_space<vmem>>, vector<1x1x16xf32>,
        %get3A_388 = vector.shape_cast %get3A_387 : vector<1x1x16xf32> to vector<16xf32>
        %mul3A_389 = arith.constant 8.000000e+00 : f32
        %mul3A_390 = vector.broadcast %mul3A_389 : f32 to vector<16xf32>
        %mul3A_391 = arith.mulf %get3A_388, %mul3A_390 : vector<16xf32>
        %swap3A_392 = arith.constant 0 : i32
        %swap3A_393 = arith.index_cast %swap3A_392 : i32 to index
        %swap3A_394 = arith.index_cast %scan3A_336 : i32 to index
        %swap3A_395 = arith.constant 48 : index
        %swap3A_396 = tpu.vector_load %arg6[%swap3A_393, %swap3A_394, %swap3A_395] {strides = array<i32>} : memref<4x128x64xf32, #tpu.memory_space<vmem>>, vector<1x1x16xf32>,
        %swap3A_397 = vector.shape_cast %swap3A_396 : vector<1x1x16xf32> to vector<16xf32>
        %swap3A_398 = vector.shape_cast %mul3A_391 : vector<16xf32> to vector<1x1x16xf32>
        tpu.vector_store %arg6[%swap3A_393, %swap3A_394, %swap3A_395], %swap3A_398 {strides = array<i32>} : memref<4x128x64xf32, #tpu.memory_space<vmem>>, vector<1x1x16xf32>,
        %scan3A_399 = arith.constant 1 : i32
        %scan3A_400 = arith.addi %scan3A_336, %scan3A_399 : i32
        %get3A_401 = arith.constant 0 : i32
        %get3A_402 = arith.index_cast %get3A_401 : i32 to index
        %get3A_403 = arith.index_cast %scan3A_400 : i32 to index
        %get3A_404 = arith.constant 0 : index
        %get3A_405 = tpu.vector_load %arg6[%get3A_402, %get3A_403, %get3A_404] {strides = array<i32>} : memref<4x128x64xf32, #tpu.memory_space<vmem>>, vector<1x1x16xf32>,
        %get3A_406 = vector.shape_cast %get3A_405 : vector<1x1x16xf32> to vector<16xf32>
        %mul3A_407 = arith.constant 8.000000e+00 : f32
        %mul3A_408 = vector.broadcast %mul3A_407 : f32 to vector<16xf32>
        %mul3A_409 = arith.mulf %get3A_406, %mul3A_408 : vector<16xf32>
        %swap3A_410 = arith.constant 0 : i32
        %swap3A_411 = arith.index_cast %swap3A_410 : i32 to index
        %swap3A_412 = arith.index_cast %scan3A_400 : i32 to index
        %swap3A_413 = arith.constant 0 : index
        %swap3A_414 = tpu.vector_load %arg6[%swap3A_411, %swap3A_412, %swap3A_413] {strides = array<i32>} : memref<4x128x64xf32, #tpu.memory_space<vmem>>, vector<1x1x16xf32>,
        %swap3A_415 = vector.shape_cast %swap3A_414 : vector<1x1x16xf32> to vector<16xf32>
        %swap3A_416 = vector.shape_cast %mul3A_409 : vector<16xf32> to vector<1x1x16xf32>
        tpu.vector_store %arg6[%swap3A_411, %swap3A_412, %swap3A_413], %swap3A_416 {strides = array<i32>} : memref<4x128x64xf32, #tpu.memory_space<vmem>>, vector<1x1x16xf32>,
        %get3A_417 = arith.constant 0 : i32
        %get3A_418 = arith.index_cast %get3A_417 : i32 to index
        %get3A_419 = arith.index_cast %scan3A_400 : i32 to index
        %get3A_420 = arith.constant 16 : index
        %get3A_421 = tpu.vector_load %arg6[%get3A_418, %get3A_419, %get3A_420] {strides = array<i32>} : memref<4x128x64xf32, #tpu.memory_space<vmem>>, vector<1x1x16xf32>,
        %get3A_422 = vector.shape_cast %get3A_421 : vector<1x1x16xf32> to vector<16xf32>
        %mul3A_423 = arith.constant 8.000000e+00 : f32
        %mul3A_424 = vector.broadcast %mul3A_423 : f32 to vector<16xf32>
        %mul3A_425 = arith.mulf %get3A_422, %mul3A_424 : vector<16xf32>
        %swap3A_426 = arith.constant 0 : i32
        %swap3A_427 = arith.index_cast %swap3A_426 : i32 to index
        %swap3A_428 = arith.index_cast %scan3A_400 : i32 to index
        %swap3A_429 = arith.constant 16 : index
        %swap3A_430 = tpu.vector_load %arg6[%swap3A_427, %swap3A_428, %swap3A_429] {strides = array<i32>} : memref<4x128x64xf32, #tpu.memory_space<vmem>>, vector<1x1x16xf32>,
        %swap3A_431 = vector.shape_cast %swap3A_430 : vector<1x1x16xf32> to vector<16xf32>
        %swap3A_432 = vector.shape_cast %mul3A_425 : vector<16xf32> to vector<1x1x16xf32>
        tpu.vector_store %arg6[%swap3A_427, %swap3A_428, %swap3A_429], %swap3A_432 {strides = array<i32>} : memref<4x128x64xf32, #tpu.memory_space<vmem>>, vector<1x1x16xf32>,
        %get3A_433 = arith.constant 0 : i32
        %get3A_434 = arith.index_cast %get3A_433 : i32 to index
        %get3A_435 = arith.index_cast %scan3A_400 : i32 to index
        %get3A_436 = arith.constant 32 : index
        %get3A_437 = tpu.vector_load %arg6[%get3A_434, %get3A_435, %get3A_436] {strides = array<i32>} : memref<4x128x64xf32, #tpu.memory_space<vmem>>, vector<1x1x16xf32>,
        %get3A_438 = vector.shape_cast %get3A_437 : vector<1x1x16xf32> to vector<16xf32>
        %mul3A_439 = arith.constant 8.000000e+00 : f32
        %mul3A_440 = vector.broadcast %mul3A_439 : f32 to vector<16xf32>
        %mul3A_441 = arith.mulf %get3A_438, %mul3A_440 : vector<16xf32>
        %swap3A_442 = arith.constant 0 : i32
        %swap3A_443 = arith.index_cast %swap3A_442 : i32 to index
        %swap3A_444 = arith.index_cast %scan3A_400 : i32 to index
        %swap3A_445 = arith.constant 32 : index
        %swap3A_446 = tpu.vector_load %arg6[%swap3A_443, %swap3A_444, %swap3A_445] {strides = array<i32>} : memref<4x128x64xf32, #tpu.memory_space<vmem>>, vector<1x1x16xf32>,
        %swap3A_447 = vector.shape_cast %swap3A_446 : vector<1x1x16xf32> to vector<16xf32>
        %swap3A_448 = vector.shape_cast %mul3A_441 : vector<16xf32> to vector<1x1x16xf32>
        tpu.vector_store %arg6[%swap3A_443, %swap3A_444, %swap3A_445], %swap3A_448 {strides = array<i32>} : memref<4x128x64xf32, #tpu.memory_space<vmem>>, vector<1x1x16xf32>,
        %get3A_449 = arith.constant 0 : i32
        %get3A_450 = arith.index_cast %get3A_449 : i32 to index
        %get3A_451 = arith.index_cast %scan3A_400 : i32 to index
        %get3A_452 = arith.constant 48 : index
        %get3A_453 = tpu.vector_load %arg6[%get3A_450, %get3A_451, %get3A_452] {strides = array<i32>} : memref<4x128x64xf32, #tpu.memory_space<vmem>>, vector<1x1x16xf32>,
        %get3A_454 = vector.shape_cast %get3A_453 : vector<1x1x16xf32> to vector<16xf32>
        %mul3A_455 = arith.constant 8.000000e+00 : f32
        %mul3A_456 = vector.broadcast %mul3A_455 : f32 to vector<16xf32>
        %mul3A_457 = arith.mulf %get3A_454, %mul3A_456 : vector<16xf32>
        %swap3A_458 = arith.constant 0 : i32
        %swap3A_459 = arith.index_cast %swap3A_458 : i32 to index
        %swap3A_460 = arith.index_cast %scan3A_400 : i32 to index
        %swap3A_461 = arith.constant 48 : index
        %swap3A_462 = tpu.vector_load %arg6[%swap3A_459, %swap3A_460, %swap3A_461] {strides = array<i32>} : memref<4x128x64xf32, #tpu.memory_space<vmem>>, vector<1x1x16xf32>,
        %swap3A_463 = vector.shape_cast %swap3A_462 : vector<1x1x16xf32> to vector<16xf32>
        %swap3A_464 = vector.shape_cast %mul3A_457 : vector<16xf32> to vector<1x1x16xf32>
        tpu.vector_store %arg6[%swap3A_459, %swap3A_460, %swap3A_461], %swap3A_464 {strides = array<i32>} : memref<4x128x64xf32, #tpu.memory_space<vmem>>, vector<1x1x16xf32>,
      }
      %scan3A_162 = arith.constant 128 : i32
      %mul3A_163 = arith.constant 128 : i32
      %mul3A_164 = arith.muli %add3A_142, %mul3A_163 : i32
      %add3A_165 = arith.addi %mul3A_2, %mul3A_164 : i32
      %dma_start3A_166 = arith.constant 0 : i32
      %dma_start3A_167 = arith.constant 0 : i32
      %dma_start3A_168 = arith.constant 0 : i32
      %dma_start3A_169 = arith.constant 0 : i32
      %dma_start3A_170 = tpu.memref_slice %arg6[%dma_start3A_166, %dma_start3A_168, %dma_start3A_169] : memref<4x128x64xf32, #tpu.memory_space<vmem>> -> memref<1x128x64xf32, #tpu.memory_space<vmem>>
      %dma_start3A_171 = tpu.memref_squeeze %dma_start3A_170 : memref<1x128x64xf32, #tpu.memory_space<vmem>> -> memref<128x64xf32, #tpu.memory_space<vmem>>
      %dma_start3A_172 = arith.constant 0 : i32
      %dma_start3A_173 = tpu.memref_slice %arg4[%add3A_165, %dma_start3A_172] : memref<819200x64xf32, #tpu.memory_space<hbm>> -> memref<128x64xf32, #tpu.memory_space<hbm>>
      %dma_start3A_174 = tpu.memref_slice %arg8[%dma_start3A_167] : memref<4x!tpu.dma_semaphore, #tpu.memory_space<semaphore_mem>> -> memref<1x!tpu.dma_semaphore, #tpu.memory_space<semaphore_mem>>
      %dma_start3A_175 = tpu.memref_squeeze %dma_start3A_174 : memref<1x!tpu.dma_semaphore, #tpu.memory_space<semaphore_mem>> -> memref<!tpu.dma_semaphore, #tpu.memory_space<semaphore_mem>>
      %dma_start3A_176 = arith.constant 0 : i32
      %dma_start3A_177 = tpu.memref_slice %arg4[%add3A_165, %dma_start3A_176] : memref<819200x64xf32, #tpu.memory_space<hbm>> -> memref<128x64xf32, #tpu.memory_space<hbm>>
      %dma_start3A_178 = arith.constant 0 : i32
      %dma_start3A_179 = arith.constant 0 : i32
      %dma_start3A_180 = tpu.memref_slice %arg6[%dma_start3A_166, %dma_start3A_178, %dma_start3A_179] : memref<4x128x64xf32, #tpu.memory_space<vmem>> -> memref<1x128x64xf32, #tpu.memory_space<vmem>>
      %dma_start3A_181 = tpu.memref_squeeze %dma_start3A_180 : memref<1x128x64xf32, #tpu.memory_space<vmem>> -> memref<128x64xf32, #tpu.memory_space<vmem>>
      tpu.enqueue_dma source(%dma_start3A_181 : memref<128x64xf32, #tpu.memory_space<vmem>>) target(%dma_start3A_177 : memref<128x64xf32, #tpu.memory_space<hbm>>) target_semaphore(%dma_start3A_175 : memref<!tpu.dma_semaphore, #tpu.memory_space<semaphore_mem>>)
      %add3A_182 = arith.constant 4 : i32
      %add3A_183 = arith.addi %add3A_142, %add3A_182 : i32
      %lt3A = arith.constant 200 : i32
      %lt3A_184 = arith.cmpi slt, %add3A_183, %lt3A : i32
      %convert_element_type3A = arith.extui %lt3A_184 : i1 to i32
      %cond3A = arith.constant 0 : i32
      %cond3A_185 = arith.cmpi ne, %convert_element_type3A, %cond3A : i32
      scf.if %cond3A_185 {
        %mul3A_336 = arith.constant 128 : i32
        %mul3A_337 = arith.muli %add3A_142, %mul3A_336 : i32
        %add3A_338 = arith.addi %mul3A_2, %mul3A_337 : i32
        %dma_wait3A_339 = arith.constant 0 : i32
        %dma_wait3A_340 = arith.constant 0 : i32
        %dma_wait3A_341 = arith.constant 0 : i32
        %dma_wait3A_342 = arith.constant 0 : i32
        %dma_wait3A_343 = tpu.memref_slice %arg6[%dma_wait3A_339, %dma_wait3A_341, %dma_wait3A_342] : memref<4x128x64xf32, #tpu.memory_space<vmem>> -> memref<1x128x64xf32, #tpu.memory_space<vmem>>
        %dma_wait3A_344 = tpu.memref_squeeze %dma_wait3A_343 : memref<1x128x64xf32, #tpu.memory_space<vmem>> -> memref<128x64xf32, #tpu.memory_space<vmem>>
        %dma_wait3A_345 = arith.constant 0 : i32
        %dma_wait3A_346 = tpu.memref_slice %arg4[%add3A_338, %dma_wait3A_345] : memref<819200x64xf32, #tpu.memory_space<hbm>> -> memref<128x64xf32, #tpu.memory_space<hbm>>
        %dma_wait3A_347 = tpu.memref_slice %arg8[%dma_wait3A_340] : memref<4x!tpu.dma_semaphore, #tpu.memory_space<semaphore_mem>> -> memref<1x!tpu.dma_semaphore, #tpu.memory_space<semaphore_mem>>
        %dma_wait3A_348 = tpu.memref_squeeze %dma_wait3A_347 : memref<1x!tpu.dma_semaphore, #tpu.memory_space<semaphore_mem>> -> memref<!tpu.dma_semaphore, #tpu.memory_space<semaphore_mem>>
        %dma_wait3A_349 = arith.constant 0 : i32
        %dma_wait3A_350 = tpu.memref_slice %arg4[%add3A_338, %dma_wait3A_349] : memref<819200x64xf32, #tpu.memory_space<hbm>> -> memref<128x64xf32, #tpu.memory_space<hbm>>
        %dma_wait3A_351 = arith.constant 0 : i32
        %dma_wait3A_352 = arith.constant 0 : i32
        %dma_wait3A_353 = tpu.memref_slice %arg6[%dma_wait3A_339, %dma_wait3A_351, %dma_wait3A_352] : memref<4x128x64xf32, #tpu.memory_space<vmem>> -> memref<1x128x64xf32, #tpu.memory_space<vmem>>
        %dma_wait3A_354 = tpu.memref_squeeze %dma_wait3A_353 : memref<1x128x64xf32, #tpu.memory_space<vmem>> -> memref<128x64xf32, #tpu.memory_space<vmem>>
        tpu.wait_dma2 semaphore(%dma_wait3A_348 : memref<!tpu.dma_semaphore, #tpu.memory_space<semaphore_mem>>) src(%dma_wait3A_354 : memref<128x64xf32, #tpu.memory_space<vmem>>) dst(%dma_wait3A_350 : memref<128x64xf32, #tpu.memory_space<hbm>>)
        %add3A_355 = arith.constant 4 : i32
        %add3A_356 = arith.addi %add3A_142, %add3A_355 : i32
        %dma_start3A_357 = arith.constant 0 : i32
        %dma_start3A_358 = arith.constant 0 : i32
        %dma_start3A_359 = arith.constant 0 : i32
        %dma_start3A_360 = arith.constant 0 : i32
        %dma_start3A_361 = tpu.memref_slice %arg6[%dma_start3A_357, %dma_start3A_359, %dma_start3A_360] : memref<4x128x64xf32, #tpu.memory_space<vmem>> -> memref<1x128x64xf32, #tpu.memory_space<vmem>>
        %dma_start3A_362 = tpu.memref_squeeze %dma_start3A_361 : memref<1x128x64xf32, #tpu.memory_space<vmem>> -> memref<128x64xf32, #tpu.memory_space<vmem>>
        %dma_start3A_363 = arith.constant 0 : i32
        %dma_start3A_364 = tpu.memref_slice %arg5[%add3A_356, %dma_start3A_363] : memref<200x128xi32, #tpu.memory_space<vmem>> -> memref<1x128xi32, #tpu.memory_space<vmem>>
        %dma_start3A_365 = tpu.memref_squeeze %dma_start3A_364 : memref<1x128xi32, #tpu.memory_space<vmem>> -> memref<128xi32, #tpu.memory_space<vmem>>
        %dma_start3A_366 = arith.constant 0 : i32
        %dma_start3A_367 = arith.constant 0 : i32
        %dma_start3A_368 = tpu.memref_slice %arg3[%dma_start3A_366, %dma_start3A_367] : memref<1000000x64xf32, #tpu.memory_space<hbm>> -> memref<1000000x64xf32, #tpu.memory_space<hbm>>
        %dma_start3A_369 = tpu.memref_slice %arg7[%dma_start3A_358] : memref<4x!tpu.dma_semaphore, #tpu.memory_space<semaphore_mem>> -> memref<1x!tpu.dma_semaphore, #tpu.memory_space<semaphore_mem>>
        %dma_start3A_370 = tpu.memref_squeeze %dma_start3A_369 : memref<1x!tpu.dma_semaphore, #tpu.memory_space<semaphore_mem>> -> memref<!tpu.dma_semaphore, #tpu.memory_space<semaphore_mem>>
        tpu.enqueue_indirect_dma source(%dma_start3A_368 : memref<1000000x64xf32, #tpu.memory_space<hbm>>) target(%dma_start3A_362 : memref<128x64xf32, #tpu.memory_space<vmem>>) offsets(%dma_start3A_365 : memref<128xi32, #tpu.memory_space<vmem>>) semaphore(%dma_start3A_370 : memref<!tpu.dma_semaphore, #tpu.memory_space<semaphore_mem>>)
      } else {
      }
      %mul3A_186 = arith.constant 4 : i32
      %mul3A_187 = arith.muli %scan3A_138, %mul3A_186 : i32
      %add3A_188 = arith.constant 1 : i32
      %add3A_189 = arith.addi %mul3A_187, %add3A_188 : i32
      %dma_wait3A_190 = arith.constant 1 : i32
      %dma_wait3A_191 = arith.constant 1 : i32
      %dma_wait3A_192 = arith.constant 0 : i32
      %dma_wait3A_193 = arith.constant 0 : i32
      %dma_wait3A_194 = tpu.memref_slice %arg6[%dma_wait3A_190, %dma_wait3A_192, %dma_wait3A_193] : memref<4x128x64xf32, #tpu.memory_space<vmem>> -> memref<1x128x64xf32, #tpu.memory_space<vmem>>
      %dma_wait3A_195 = tpu.memref_squeeze %dma_wait3A_194 : memref<1x128x64xf32, #tpu.memory_space<vmem>> -> memref<128x64xf32, #tpu.memory_space<vmem>>
      %dma_wait3A_196 = arith.constant 0 : i32
      %dma_wait3A_197 = tpu.memref_slice %arg5[%add3A_189, %dma_wait3A_196] : memref<200x128xi32, #tpu.memory_space<vmem>> -> memref<1x128xi32, #tpu.memory_space<vmem>>
      %dma_wait3A_198 = tpu.memref_squeeze %dma_wait3A_197 : memref<1x128xi32, #tpu.memory_space<vmem>> -> memref<128xi32, #tpu.memory_space<vmem>>
      %dma_wait3A_199 = arith.constant 0 : i32
      %dma_wait3A_200 = arith.constant 0 : i32
      %dma_wait3A_201 = tpu.memref_slice %arg3[%dma_wait3A_199, %dma_wait3A_200] : memref<1000000x64xf32, #tpu.memory_space<hbm>> -> memref<1000000x64xf32, #tpu.memory_space<hbm>>
      %dma_wait3A_202 = tpu.memref_slice %arg7[%dma_wait3A_191] : memref<4x!tpu.dma_semaphore, #tpu.memory_space<semaphore_mem>> -> memref<1x!tpu.dma_semaphore, #tpu.memory_space<semaphore_mem>>
      %dma_wait3A_203 = tpu.memref_squeeze %dma_wait3A_202 : memref<1x!tpu.dma_semaphore, #tpu.memory_space<semaphore_mem>> -> memref<!tpu.dma_semaphore, #tpu.memory_space<semaphore_mem>>
      tpu.wait_indirect_dma semaphore(%dma_wait3A_203 : memref<!tpu.dma_semaphore, #tpu.memory_space<semaphore_mem>>) src(%dma_wait3A_201 : memref<1000000x64xf32, #tpu.memory_space<hbm>>) dst(%dma_wait3A_195 : memref<128x64xf32, #tpu.memory_space<vmem>>)
      %scan3A_204 = arith.constant 0 : i32
      %scan3A_205 = arith.constant 0 : i32
      %scan3A_206 = arith.constant 128 : i32
      %scan3A_207 = arith.addi %scan3A_205, %scan3A_206 : i32
      %scan3A_208 = arith.constant 2 : i32
      scf.for %scan3A_336 = %scan3A_205 to %scan3A_207 step %scan3A_208  : i32 {
        %get3A = arith.constant 1 : i32
        %get3A_337 = arith.index_cast %get3A : i32 to index
        %get3A_338 = arith.index_cast %scan3A_336 : i32 to index
        %get3A_339 = arith.constant 0 : index
        %get3A_340 = tpu.vector_load %arg6[%get3A_337, %get3A_338, %get3A_339] {strides = array<i32>} : memref<4x128x64xf32, #tpu.memory_space<vmem>>, vector<1x1x16xf32>,
        %get3A_341 = vector.shape_cast %get3A_340 : vector<1x1x16xf32> to vector<16xf32>
        %mul3A_342 = arith.constant 8.000000e+00 : f32
        %mul3A_343 = vector.broadcast %mul3A_342 : f32 to vector<16xf32>
        %mul3A_344 = arith.mulf %get3A_341, %mul3A_343 : vector<16xf32>
        %swap3A = arith.constant 1 : i32
        %swap3A_345 = arith.index_cast %swap3A : i32 to index
        %swap3A_346 = arith.index_cast %scan3A_336 : i32 to index
        %swap3A_347 = arith.constant 0 : index
        %swap3A_348 = tpu.vector_load %arg6[%swap3A_345, %swap3A_346, %swap3A_347] {strides = array<i32>} : memref<4x128x64xf32, #tpu.memory_space<vmem>>, vector<1x1x16xf32>,
        %swap3A_349 = vector.shape_cast %swap3A_348 : vector<1x1x16xf32> to vector<16xf32>
        %swap3A_350 = vector.shape_cast %mul3A_344 : vector<16xf32> to vector<1x1x16xf32>
        tpu.vector_store %arg6[%swap3A_345, %swap3A_346, %swap3A_347], %swap3A_350 {strides = array<i32>} : memref<4x128x64xf32, #tpu.memory_space<vmem>>, vector<1x1x16xf32>,
        %get3A_351 = arith.constant 1 : i32
        %get3A_352 = arith.index_cast %get3A_351 : i32 to index
        %get3A_353 = arith.index_cast %scan3A_336 : i32 to index
        %get3A_354 = arith.constant 16 : index
        %get3A_355 = tpu.vector_load %arg6[%get3A_352, %get3A_353, %get3A_354] {strides = array<i32>} : memref<4x128x64xf32, #tpu.memory_space<vmem>>, vector<1x1x16xf32>,
        %get3A_356 = vector.shape_cast %get3A_355 : vector<1x1x16xf32> to vector<16xf32>
        %mul3A_357 = arith.constant 8.000000e+00 : f32
        %mul3A_358 = vector.broadcast %mul3A_357 : f32 to vector<16xf32>
        %mul3A_359 = arith.mulf %get3A_356, %mul3A_358 : vector<16xf32>
        %swap3A_360 = arith.constant 1 : i32
        %swap3A_361 = arith.index_cast %swap3A_360 : i32 to index
        %swap3A_362 = arith.index_cast %scan3A_336 : i32 to index
        %swap3A_363 = arith.constant 16 : index
        %swap3A_364 = tpu.vector_load %arg6[%swap3A_361, %swap3A_362, %swap3A_363] {strides = array<i32>} : memref<4x128x64xf32, #tpu.memory_space<vmem>>, vector<1x1x16xf32>,
        %swap3A_365 = vector.shape_cast %swap3A_364 : vector<1x1x16xf32> to vector<16xf32>
        %swap3A_366 = vector.shape_cast %mul3A_359 : vector<16xf32> to vector<1x1x16xf32>
        tpu.vector_store %arg6[%swap3A_361, %swap3A_362, %swap3A_363], %swap3A_366 {strides = array<i32>} : memref<4x128x64xf32, #tpu.memory_space<vmem>>, vector<1x1x16xf32>,
        %get3A_367 = arith.constant 1 : i32
        %get3A_368 = arith.index_cast %get3A_367 : i32 to index
        %get3A_369 = arith.index_cast %scan3A_336 : i32 to index
        %get3A_370 = arith.constant 32 : index
        %get3A_371 = tpu.vector_load %arg6[%get3A_368, %get3A_369, %get3A_370] {strides = array<i32>} : memref<4x128x64xf32, #tpu.memory_space<vmem>>, vector<1x1x16xf32>,
        %get3A_372 = vector.shape_cast %get3A_371 : vector<1x1x16xf32> to vector<16xf32>
        %mul3A_373 = arith.constant 8.000000e+00 : f32
        %mul3A_374 = vector.broadcast %mul3A_373 : f32 to vector<16xf32>
        %mul3A_375 = arith.mulf %get3A_372, %mul3A_374 : vector<16xf32>
        %swap3A_376 = arith.constant 1 : i32
        %swap3A_377 = arith.index_cast %swap3A_376 : i32 to index
        %swap3A_378 = arith.index_cast %scan3A_336 : i32 to index
        %swap3A_379 = arith.constant 32 : index
        %swap3A_380 = tpu.vector_load %arg6[%swap3A_377, %swap3A_378, %swap3A_379] {strides = array<i32>} : memref<4x128x64xf32, #tpu.memory_space<vmem>>, vector<1x1x16xf32>,
        %swap3A_381 = vector.shape_cast %swap3A_380 : vector<1x1x16xf32> to vector<16xf32>
        %swap3A_382 = vector.shape_cast %mul3A_375 : vector<16xf32> to vector<1x1x16xf32>
        tpu.vector_store %arg6[%swap3A_377, %swap3A_378, %swap3A_379], %swap3A_382 {strides = array<i32>} : memref<4x128x64xf32, #tpu.memory_space<vmem>>, vector<1x1x16xf32>,
        %get3A_383 = arith.constant 1 : i32
        %get3A_384 = arith.index_cast %get3A_383 : i32 to index
        %get3A_385 = arith.index_cast %scan3A_336 : i32 to index
        %get3A_386 = arith.constant 48 : index
        %get3A_387 = tpu.vector_load %arg6[%get3A_384, %get3A_385, %get3A_386] {strides = array<i32>} : memref<4x128x64xf32, #tpu.memory_space<vmem>>, vector<1x1x16xf32>,
        %get3A_388 = vector.shape_cast %get3A_387 : vector<1x1x16xf32> to vector<16xf32>
        %mul3A_389 = arith.constant 8.000000e+00 : f32
        %mul3A_390 = vector.broadcast %mul3A_389 : f32 to vector<16xf32>
        %mul3A_391 = arith.mulf %get3A_388, %mul3A_390 : vector<16xf32>
        %swap3A_392 = arith.constant 1 : i32
        %swap3A_393 = arith.index_cast %swap3A_392 : i32 to index
        %swap3A_394 = arith.index_cast %scan3A_336 : i32 to index
        %swap3A_395 = arith.constant 48 : index
        %swap3A_396 = tpu.vector_load %arg6[%swap3A_393, %swap3A_394, %swap3A_395] {strides = array<i32>} : memref<4x128x64xf32, #tpu.memory_space<vmem>>, vector<1x1x16xf32>,
        %swap3A_397 = vector.shape_cast %swap3A_396 : vector<1x1x16xf32> to vector<16xf32>
        %swap3A_398 = vector.shape_cast %mul3A_391 : vector<16xf32> to vector<1x1x16xf32>
        tpu.vector_store %arg6[%swap3A_393, %swap3A_394, %swap3A_395], %swap3A_398 {strides = array<i32>} : memref<4x128x64xf32, #tpu.memory_space<vmem>>, vector<1x1x16xf32>,
        %scan3A_399 = arith.constant 1 : i32
        %scan3A_400 = arith.addi %scan3A_336, %scan3A_399 : i32
        %get3A_401 = arith.constant 1 : i32
        %get3A_402 = arith.index_cast %get3A_401 : i32 to index
        %get3A_403 = arith.index_cast %scan3A_400 : i32 to index
        %get3A_404 = arith.constant 0 : index
        %get3A_405 = tpu.vector_load %arg6[%get3A_402, %get3A_403, %get3A_404] {strides = array<i32>} : memref<4x128x64xf32, #tpu.memory_space<vmem>>, vector<1x1x16xf32>,
        %get3A_406 = vector.shape_cast %get3A_405 : vector<1x1x16xf32> to vector<16xf32>
        %mul3A_407 = arith.constant 8.000000e+00 : f32
        %mul3A_408 = vector.broadcast %mul3A_407 : f32 to vector<16xf32>
        %mul3A_409 = arith.mulf %get3A_406, %mul3A_408 : vector<16xf32>
        %swap3A_410 = arith.constant 1 : i32
        %swap3A_411 = arith.index_cast %swap3A_410 : i32 to index
        %swap3A_412 = arith.index_cast %scan3A_400 : i32 to index
        %swap3A_413 = arith.constant 0 : index
        %swap3A_414 = tpu.vector_load %arg6[%swap3A_411, %swap3A_412, %swap3A_413] {strides = array<i32>} : memref<4x128x64xf32, #tpu.memory_space<vmem>>, vector<1x1x16xf32>,
        %swap3A_415 = vector.shape_cast %swap3A_414 : vector<1x1x16xf32> to vector<16xf32>
        %swap3A_416 = vector.shape_cast %mul3A_409 : vector<16xf32> to vector<1x1x16xf32>
        tpu.vector_store %arg6[%swap3A_411, %swap3A_412, %swap3A_413], %swap3A_416 {strides = array<i32>} : memref<4x128x64xf32, #tpu.memory_space<vmem>>, vector<1x1x16xf32>,
        %get3A_417 = arith.constant 1 : i32
        %get3A_418 = arith.index_cast %get3A_417 : i32 to index
        %get3A_419 = arith.index_cast %scan3A_400 : i32 to index
        %get3A_420 = arith.constant 16 : index
        %get3A_421 = tpu.vector_load %arg6[%get3A_418, %get3A_419, %get3A_420] {strides = array<i32>} : memref<4x128x64xf32, #tpu.memory_space<vmem>>, vector<1x1x16xf32>,
        %get3A_422 = vector.shape_cast %get3A_421 : vector<1x1x16xf32> to vector<16xf32>
        %mul3A_423 = arith.constant 8.000000e+00 : f32
        %mul3A_424 = vector.broadcast %mul3A_423 : f32 to vector<16xf32>
        %mul3A_425 = arith.mulf %get3A_422, %mul3A_424 : vector<16xf32>
        %swap3A_426 = arith.constant 1 : i32
        %swap3A_427 = arith.index_cast %swap3A_426 : i32 to index
        %swap3A_428 = arith.index_cast %scan3A_400 : i32 to index
        %swap3A_429 = arith.constant 16 : index
        %swap3A_430 = tpu.vector_load %arg6[%swap3A_427, %swap3A_428, %swap3A_429] {strides = array<i32>} : memref<4x128x64xf32, #tpu.memory_space<vmem>>, vector<1x1x16xf32>,
        %swap3A_431 = vector.shape_cast %swap3A_430 : vector<1x1x16xf32> to vector<16xf32>
        %swap3A_432 = vector.shape_cast %mul3A_425 : vector<16xf32> to vector<1x1x16xf32>
        tpu.vector_store %arg6[%swap3A_427, %swap3A_428, %swap3A_429], %swap3A_432 {strides = array<i32>} : memref<4x128x64xf32, #tpu.memory_space<vmem>>, vector<1x1x16xf32>,
        %get3A_433 = arith.constant 1 : i32
        %get3A_434 = arith.index_cast %get3A_433 : i32 to index
        %get3A_435 = arith.index_cast %scan3A_400 : i32 to index
        %get3A_436 = arith.constant 32 : index
        %get3A_437 = tpu.vector_load %arg6[%get3A_434, %get3A_435, %get3A_436] {strides = array<i32>} : memref<4x128x64xf32, #tpu.memory_space<vmem>>, vector<1x1x16xf32>,
        %get3A_438 = vector.shape_cast %get3A_437 : vector<1x1x16xf32> to vector<16xf32>
        %mul3A_439 = arith.constant 8.000000e+00 : f32
        %mul3A_440 = vector.broadcast %mul3A_439 : f32 to vector<16xf32>
        %mul3A_441 = arith.mulf %get3A_438, %mul3A_440 : vector<16xf32>
        %swap3A_442 = arith.constant 1 : i32
        %swap3A_443 = arith.index_cast %swap3A_442 : i32 to index
        %swap3A_444 = arith.index_cast %scan3A_400 : i32 to index
        %swap3A_445 = arith.constant 32 : index
        %swap3A_446 = tpu.vector_load %arg6[%swap3A_443, %swap3A_444, %swap3A_445] {strides = array<i32>} : memref<4x128x64xf32, #tpu.memory_space<vmem>>, vector<1x1x16xf32>,
        %swap3A_447 = vector.shape_cast %swap3A_446 : vector<1x1x16xf32> to vector<16xf32>
        %swap3A_448 = vector.shape_cast %mul3A_441 : vector<16xf32> to vector<1x1x16xf32>
        tpu.vector_store %arg6[%swap3A_443, %swap3A_444, %swap3A_445], %swap3A_448 {strides = array<i32>} : memref<4x128x64xf32, #tpu.memory_space<vmem>>, vector<1x1x16xf32>,
        %get3A_449 = arith.constant 1 : i32
        %get3A_450 = arith.index_cast %get3A_449 : i32 to index
        %get3A_451 = arith.index_cast %scan3A_400 : i32 to index
        %get3A_452 = arith.constant 48 : index
        %get3A_453 = tpu.vector_load %arg6[%get3A_450, %get3A_451, %get3A_452] {strides = array<i32>} : memref<4x128x64xf32, #tpu.memory_space<vmem>>, vector<1x1x16xf32>,
        %get3A_454 = vector.shape_cast %get3A_453 : vector<1x1x16xf32> to vector<16xf32>
        %mul3A_455 = arith.constant 8.000000e+00 : f32
        %mul3A_456 = vector.broadcast %mul3A_455 : f32 to vector<16xf32>
        %mul3A_457 = arith.mulf %get3A_454, %mul3A_456 : vector<16xf32>
        %swap3A_458 = arith.constant 1 : i32
        %swap3A_459 = arith.index_cast %swap3A_458 : i32 to index
        %swap3A_460 = arith.index_cast %scan3A_400 : i32 to index
        %swap3A_461 = arith.constant 48 : index
        %swap3A_462 = tpu.vector_load %arg6[%swap3A_459, %swap3A_460, %swap3A_461] {strides = array<i32>} : memref<4x128x64xf32, #tpu.memory_space<vmem>>, vector<1x1x16xf32>,
        %swap3A_463 = vector.shape_cast %swap3A_462 : vector<1x1x16xf32> to vector<16xf32>
        %swap3A_464 = vector.shape_cast %mul3A_457 : vector<16xf32> to vector<1x1x16xf32>
        tpu.vector_store %arg6[%swap3A_459, %swap3A_460, %swap3A_461], %swap3A_464 {strides = array<i32>} : memref<4x128x64xf32, #tpu.memory_space<vmem>>, vector<1x1x16xf32>,
      }
      %scan3A_209 = arith.constant 128 : i32
      %mul3A_210 = arith.constant 128 : i32
      %mul3A_211 = arith.muli %add3A_189, %mul3A_210 : i32
      %add3A_212 = arith.addi %mul3A_2, %mul3A_211 : i32
      %dma_start3A_213 = arith.constant 1 : i32
      %dma_start3A_214 = arith.constant 1 : i32
      %dma_start3A_215 = arith.constant 0 : i32
      %dma_start3A_216 = arith.constant 0 : i32
      %dma_start3A_217 = tpu.memref_slice %arg6[%dma_start3A_213, %dma_start3A_215, %dma_start3A_216] : memref<4x128x64xf32, #tpu.memory_space<vmem>> -> memref<1x128x64xf32, #tpu.memory_space<vmem>>
      %dma_start3A_218 = tpu.memref_squeeze %dma_start3A_217 : memref<1x128x64xf32, #tpu.memory_space<vmem>> -> memref<128x64xf32, #tpu.memory_space<vmem>>
      %dma_start3A_219 = arith.constant 0 : i32
      %dma_start3A_220 = tpu.memref_slice %arg4[%add3A_212, %dma_start3A_219] : memref<819200x64xf32, #tpu.memory_space<hbm>> -> memref<128x64xf32, #tpu.memory_space<hbm>>
      %dma_start3A_221 = tpu.memref_slice %arg8[%dma_start3A_214] : memref<4x!tpu.dma_semaphore, #tpu.memory_space<semaphore_mem>> -> memref<1x!tpu.dma_semaphore, #tpu.memory_space<semaphore_mem>>
      %dma_start3A_222 = tpu.memref_squeeze %dma_start3A_221 : memref<1x!tpu.dma_semaphore, #tpu.memory_space<semaphore_mem>> -> memref<!tpu.dma_semaphore, #tpu.memory_space<semaphore_mem>>
      %dma_start3A_223 = arith.constant 0 : i32
      %dma_start3A_224 = tpu.memref_slice %arg4[%add3A_212, %dma_start3A_223] : memref<819200x64xf32, #tpu.memory_space<hbm>> -> memref<128x64xf32, #tpu.memory_space<hbm>>
      %dma_start3A_225 = arith.constant 0 : i32
      %dma_start3A_226 = arith.constant 0 : i32
      %dma_start3A_227 = tpu.memref_slice %arg6[%dma_start3A_213, %dma_start3A_225, %dma_start3A_226] : memref<4x128x64xf32, #tpu.memory_space<vmem>> -> memref<1x128x64xf32, #tpu.memory_space<vmem>>
      %dma_start3A_228 = tpu.memref_squeeze %dma_start3A_227 : memref<1x128x64xf32, #tpu.memory_space<vmem>> -> memref<128x64xf32, #tpu.memory_space<vmem>>
      tpu.enqueue_dma source(%dma_start3A_228 : memref<128x64xf32, #tpu.memory_space<vmem>>) target(%dma_start3A_224 : memref<128x64xf32, #tpu.memory_space<hbm>>) target_semaphore(%dma_start3A_222 : memref<!tpu.dma_semaphore, #tpu.memory_space<semaphore_mem>>)
      %add3A_229 = arith.constant 4 : i32
      %add3A_230 = arith.addi %add3A_189, %add3A_229 : i32
      %lt3A_231 = arith.constant 200 : i32
      %lt3A_232 = arith.cmpi slt, %add3A_230, %lt3A_231 : i32
      %convert_element_type3A_233 = arith.extui %lt3A_232 : i1 to i32
      %cond3A_234 = arith.constant 0 : i32
      %cond3A_235 = arith.cmpi ne, %convert_element_type3A_233, %cond3A_234 : i32
      scf.if %cond3A_235 {
        %mul3A_336 = arith.constant 128 : i32
        %mul3A_337 = arith.muli %add3A_189, %mul3A_336 : i32
        %add3A_338 = arith.addi %mul3A_2, %mul3A_337 : i32
        %dma_wait3A_339 = arith.constant 1 : i32
        %dma_wait3A_340 = arith.constant 1 : i32
        %dma_wait3A_341 = arith.constant 0 : i32
        %dma_wait3A_342 = arith.constant 0 : i32
        %dma_wait3A_343 = tpu.memref_slice %arg6[%dma_wait3A_339, %dma_wait3A_341, %dma_wait3A_342] : memref<4x128x64xf32, #tpu.memory_space<vmem>> -> memref<1x128x64xf32, #tpu.memory_space<vmem>>
        %dma_wait3A_344 = tpu.memref_squeeze %dma_wait3A_343 : memref<1x128x64xf32, #tpu.memory_space<vmem>> -> memref<128x64xf32, #tpu.memory_space<vmem>>
        %dma_wait3A_345 = arith.constant 0 : i32
        %dma_wait3A_346 = tpu.memref_slice %arg4[%add3A_338, %dma_wait3A_345] : memref<819200x64xf32, #tpu.memory_space<hbm>> -> memref<128x64xf32, #tpu.memory_space<hbm>>
        %dma_wait3A_347 = tpu.memref_slice %arg8[%dma_wait3A_340] : memref<4x!tpu.dma_semaphore, #tpu.memory_space<semaphore_mem>> -> memref<1x!tpu.dma_semaphore, #tpu.memory_space<semaphore_mem>>
        %dma_wait3A_348 = tpu.memref_squeeze %dma_wait3A_347 : memref<1x!tpu.dma_semaphore, #tpu.memory_space<semaphore_mem>> -> memref<!tpu.dma_semaphore, #tpu.memory_space<semaphore_mem>>
        %dma_wait3A_349 = arith.constant 0 : i32
        %dma_wait3A_350 = tpu.memref_slice %arg4[%add3A_338, %dma_wait3A_349] : memref<819200x64xf32, #tpu.memory_space<hbm>> -> memref<128x64xf32, #tpu.memory_space<hbm>>
        %dma_wait3A_351 = arith.constant 0 : i32
        %dma_wait3A_352 = arith.constant 0 : i32
        %dma_wait3A_353 = tpu.memref_slice %arg6[%dma_wait3A_339, %dma_wait3A_351, %dma_wait3A_352] : memref<4x128x64xf32, #tpu.memory_space<vmem>> -> memref<1x128x64xf32, #tpu.memory_space<vmem>>
        %dma_wait3A_354 = tpu.memref_squeeze %dma_wait3A_353 : memref<1x128x64xf32, #tpu.memory_space<vmem>> -> memref<128x64xf32, #tpu.memory_space<vmem>>
        tpu.wait_dma2 semaphore(%dma_wait3A_348 : memref<!tpu.dma_semaphore, #tpu.memory_space<semaphore_mem>>) src(%dma_wait3A_354 : memref<128x64xf32, #tpu.memory_space<vmem>>) dst(%dma_wait3A_350 : memref<128x64xf32, #tpu.memory_space<hbm>>)
        %add3A_355 = arith.constant 4 : i32
        %add3A_356 = arith.addi %add3A_189, %add3A_355 : i32
        %dma_start3A_357 = arith.constant 1 : i32
        %dma_start3A_358 = arith.constant 1 : i32
        %dma_start3A_359 = arith.constant 0 : i32
        %dma_start3A_360 = arith.constant 0 : i32
        %dma_start3A_361 = tpu.memref_slice %arg6[%dma_start3A_357, %dma_start3A_359, %dma_start3A_360] : memref<4x128x64xf32, #tpu.memory_space<vmem>> -> memref<1x128x64xf32, #tpu.memory_space<vmem>>
        %dma_start3A_362 = tpu.memref_squeeze %dma_start3A_361 : memref<1x128x64xf32, #tpu.memory_space<vmem>> -> memref<128x64xf32, #tpu.memory_space<vmem>>
        %dma_start3A_363 = arith.constant 0 : i32
        %dma_start3A_364 = tpu.memref_slice %arg5[%add3A_356, %dma_start3A_363] : memref<200x128xi32, #tpu.memory_space<vmem>> -> memref<1x128xi32, #tpu.memory_space<vmem>>
        %dma_start3A_365 = tpu.memref_squeeze %dma_start3A_364 : memref<1x128xi32, #tpu.memory_space<vmem>> -> memref<128xi32, #tpu.memory_space<vmem>>
        %dma_start3A_366 = arith.constant 0 : i32
        %dma_start3A_367 = arith.constant 0 : i32
        %dma_start3A_368 = tpu.memref_slice %arg3[%dma_start3A_366, %dma_start3A_367] : memref<1000000x64xf32, #tpu.memory_space<hbm>> -> memref<1000000x64xf32, #tpu.memory_space<hbm>>
        %dma_start3A_369 = tpu.memref_slice %arg7[%dma_start3A_358] : memref<4x!tpu.dma_semaphore, #tpu.memory_space<semaphore_mem>> -> memref<1x!tpu.dma_semaphore, #tpu.memory_space<semaphore_mem>>
        %dma_start3A_370 = tpu.memref_squeeze %dma_start3A_369 : memref<1x!tpu.dma_semaphore, #tpu.memory_space<semaphore_mem>> -> memref<!tpu.dma_semaphore, #tpu.memory_space<semaphore_mem>>
        tpu.enqueue_indirect_dma source(%dma_start3A_368 : memref<1000000x64xf32, #tpu.memory_space<hbm>>) target(%dma_start3A_362 : memref<128x64xf32, #tpu.memory_space<vmem>>) offsets(%dma_start3A_365 : memref<128xi32, #tpu.memory_space<vmem>>) semaphore(%dma_start3A_370 : memref<!tpu.dma_semaphore, #tpu.memory_space<semaphore_mem>>)
      } else {
      }
      %mul3A_236 = arith.constant 4 : i32
      %mul3A_237 = arith.muli %scan3A_138, %mul3A_236 : i32
      %add3A_238 = arith.constant 2 : i32
      %add3A_239 = arith.addi %mul3A_237, %add3A_238 : i32
      %dma_wait3A_240 = arith.constant 2 : i32
      %dma_wait3A_241 = arith.constant 2 : i32
      %dma_wait3A_242 = arith.constant 0 : i32
      %dma_wait3A_243 = arith.constant 0 : i32
      %dma_wait3A_244 = tpu.memref_slice %arg6[%dma_wait3A_240, %dma_wait3A_242, %dma_wait3A_243] : memref<4x128x64xf32, #tpu.memory_space<vmem>> -> memref<1x128x64xf32, #tpu.memory_space<vmem>>
      %dma_wait3A_245 = tpu.memref_squeeze %dma_wait3A_244 : memref<1x128x64xf32, #tpu.memory_space<vmem>> -> memref<128x64xf32, #tpu.memory_space<vmem>>
      %dma_wait3A_246 = arith.constant 0 : i32
      %dma_wait3A_247 = tpu.memref_slice %arg5[%add3A_239, %dma_wait3A_246] : memref<200x128xi32, #tpu.memory_space<vmem>> -> memref<1x128xi32, #tpu.memory_space<vmem>>
      %dma_wait3A_248 = tpu.memref_squeeze %dma_wait3A_247 : memref<1x128xi32, #tpu.memory_space<vmem>> -> memref<128xi32, #tpu.memory_space<vmem>>
      %dma_wait3A_249 = arith.constant 0 : i32
      %dma_wait3A_250 = arith.constant 0 : i32
      %dma_wait3A_251 = tpu.memref_slice %arg3[%dma_wait3A_249, %dma_wait3A_250] : memref<1000000x64xf32, #tpu.memory_space<hbm>> -> memref<1000000x64xf32, #tpu.memory_space<hbm>>
      %dma_wait3A_252 = tpu.memref_slice %arg7[%dma_wait3A_241] : memref<4x!tpu.dma_semaphore, #tpu.memory_space<semaphore_mem>> -> memref<1x!tpu.dma_semaphore, #tpu.memory_space<semaphore_mem>>
      %dma_wait3A_253 = tpu.memref_squeeze %dma_wait3A_252 : memref<1x!tpu.dma_semaphore, #tpu.memory_space<semaphore_mem>> -> memref<!tpu.dma_semaphore, #tpu.memory_space<semaphore_mem>>
      tpu.wait_indirect_dma semaphore(%dma_wait3A_253 : memref<!tpu.dma_semaphore, #tpu.memory_space<semaphore_mem>>) src(%dma_wait3A_251 : memref<1000000x64xf32, #tpu.memory_space<hbm>>) dst(%dma_wait3A_245 : memref<128x64xf32, #tpu.memory_space<vmem>>)
      %scan3A_254 = arith.constant 0 : i32
      %scan3A_255 = arith.constant 0 : i32
      %scan3A_256 = arith.constant 128 : i32
      %scan3A_257 = arith.addi %scan3A_255, %scan3A_256 : i32
      %scan3A_258 = arith.constant 2 : i32
      scf.for %scan3A_336 = %scan3A_255 to %scan3A_257 step %scan3A_258  : i32 {
        %get3A = arith.constant 2 : i32
        %get3A_337 = arith.index_cast %get3A : i32 to index
        %get3A_338 = arith.index_cast %scan3A_336 : i32 to index
        %get3A_339 = arith.constant 0 : index
        %get3A_340 = tpu.vector_load %arg6[%get3A_337, %get3A_338, %get3A_339] {strides = array<i32>} : memref<4x128x64xf32, #tpu.memory_space<vmem>>, vector<1x1x16xf32>,
        %get3A_341 = vector.shape_cast %get3A_340 : vector<1x1x16xf32> to vector<16xf32>
        %mul3A_342 = arith.constant 8.000000e+00 : f32
        %mul3A_343 = vector.broadcast %mul3A_342 : f32 to vector<16xf32>
        %mul3A_344 = arith.mulf %get3A_341, %mul3A_343 : vector<16xf32>
        %swap3A = arith.constant 2 : i32
        %swap3A_345 = arith.index_cast %swap3A : i32 to index
        %swap3A_346 = arith.index_cast %scan3A_336 : i32 to index
        %swap3A_347 = arith.constant 0 : index
        %swap3A_348 = tpu.vector_load %arg6[%swap3A_345, %swap3A_346, %swap3A_347] {strides = array<i32>} : memref<4x128x64xf32, #tpu.memory_space<vmem>>, vector<1x1x16xf32>,
        %swap3A_349 = vector.shape_cast %swap3A_348 : vector<1x1x16xf32> to vector<16xf32>
        %swap3A_350 = vector.shape_cast %mul3A_344 : vector<16xf32> to vector<1x1x16xf32>
        tpu.vector_store %arg6[%swap3A_345, %swap3A_346, %swap3A_347], %swap3A_350 {strides = array<i32>} : memref<4x128x64xf32, #tpu.memory_space<vmem>>, vector<1x1x16xf32>,
        %get3A_351 = arith.constant 2 : i32
        %get3A_352 = arith.index_cast %get3A_351 : i32 to index
        %get3A_353 = arith.index_cast %scan3A_336 : i32 to index
        %get3A_354 = arith.constant 16 : index
        %get3A_355 = tpu.vector_load %arg6[%get3A_352, %get3A_353, %get3A_354] {strides = array<i32>} : memref<4x128x64xf32, #tpu.memory_space<vmem>>, vector<1x1x16xf32>,
        %get3A_356 = vector.shape_cast %get3A_355 : vector<1x1x16xf32> to vector<16xf32>
        %mul3A_357 = arith.constant 8.000000e+00 : f32
        %mul3A_358 = vector.broadcast %mul3A_357 : f32 to vector<16xf32>
        %mul3A_359 = arith.mulf %get3A_356, %mul3A_358 : vector<16xf32>
        %swap3A_360 = arith.constant 2 : i32
        %swap3A_361 = arith.index_cast %swap3A_360 : i32 to index
        %swap3A_362 = arith.index_cast %scan3A_336 : i32 to index
        %swap3A_363 = arith.constant 16 : index
        %swap3A_364 = tpu.vector_load %arg6[%swap3A_361, %swap3A_362, %swap3A_363] {strides = array<i32>} : memref<4x128x64xf32, #tpu.memory_space<vmem>>, vector<1x1x16xf32>,
        %swap3A_365 = vector.shape_cast %swap3A_364 : vector<1x1x16xf32> to vector<16xf32>
        %swap3A_366 = vector.shape_cast %mul3A_359 : vector<16xf32> to vector<1x1x16xf32>
        tpu.vector_store %arg6[%swap3A_361, %swap3A_362, %swap3A_363], %swap3A_366 {strides = array<i32>} : memref<4x128x64xf32, #tpu.memory_space<vmem>>, vector<1x1x16xf32>,
        %get3A_367 = arith.constant 2 : i32
        %get3A_368 = arith.index_cast %get3A_367 : i32 to index
        %get3A_369 = arith.index_cast %scan3A_336 : i32 to index
        %get3A_370 = arith.constant 32 : index
        %get3A_371 = tpu.vector_load %arg6[%get3A_368, %get3A_369, %get3A_370] {strides = array<i32>} : memref<4x128x64xf32, #tpu.memory_space<vmem>>, vector<1x1x16xf32>,
        %get3A_372 = vector.shape_cast %get3A_371 : vector<1x1x16xf32> to vector<16xf32>
        %mul3A_373 = arith.constant 8.000000e+00 : f32
        %mul3A_374 = vector.broadcast %mul3A_373 : f32 to vector<16xf32>
        %mul3A_375 = arith.mulf %get3A_372, %mul3A_374 : vector<16xf32>
        %swap3A_376 = arith.constant 2 : i32
        %swap3A_377 = arith.index_cast %swap3A_376 : i32 to index
        %swap3A_378 = arith.index_cast %scan3A_336 : i32 to index
        %swap3A_379 = arith.constant 32 : index
        %swap3A_380 = tpu.vector_load %arg6[%swap3A_377, %swap3A_378, %swap3A_379] {strides = array<i32>} : memref<4x128x64xf32, #tpu.memory_space<vmem>>, vector<1x1x16xf32>,
        %swap3A_381 = vector.shape_cast %swap3A_380 : vector<1x1x16xf32> to vector<16xf32>
        %swap3A_382 = vector.shape_cast %mul3A_375 : vector<16xf32> to vector<1x1x16xf32>
        tpu.vector_store %arg6[%swap3A_377, %swap3A_378, %swap3A_379], %swap3A_382 {strides = array<i32>} : memref<4x128x64xf32, #tpu.memory_space<vmem>>, vector<1x1x16xf32>,
        %get3A_383 = arith.constant 2 : i32
        %get3A_384 = arith.index_cast %get3A_383 : i32 to index
        %get3A_385 = arith.index_cast %scan3A_336 : i32 to index
        %get3A_386 = arith.constant 48 : index
        %get3A_387 = tpu.vector_load %arg6[%get3A_384, %get3A_385, %get3A_386] {strides = array<i32>} : memref<4x128x64xf32, #tpu.memory_space<vmem>>, vector<1x1x16xf32>,
        %get3A_388 = vector.shape_cast %get3A_387 : vector<1x1x16xf32> to vector<16xf32>
        %mul3A_389 = arith.constant 8.000000e+00 : f32
        %mul3A_390 = vector.broadcast %mul3A_389 : f32 to vector<16xf32>
        %mul3A_391 = arith.mulf %get3A_388, %mul3A_390 : vector<16xf32>
        %swap3A_392 = arith.constant 2 : i32
        %swap3A_393 = arith.index_cast %swap3A_392 : i32 to index
        %swap3A_394 = arith.index_cast %scan3A_336 : i32 to index
        %swap3A_395 = arith.constant 48 : index
        %swap3A_396 = tpu.vector_load %arg6[%swap3A_393, %swap3A_394, %swap3A_395] {strides = array<i32>} : memref<4x128x64xf32, #tpu.memory_space<vmem>>, vector<1x1x16xf32>,
        %swap3A_397 = vector.shape_cast %swap3A_396 : vector<1x1x16xf32> to vector<16xf32>
        %swap3A_398 = vector.shape_cast %mul3A_391 : vector<16xf32> to vector<1x1x16xf32>
        tpu.vector_store %arg6[%swap3A_393, %swap3A_394, %swap3A_395], %swap3A_398 {strides = array<i32>} : memref<4x128x64xf32, #tpu.memory_space<vmem>>, vector<1x1x16xf32>,
        %scan3A_399 = arith.constant 1 : i32
        %scan3A_400 = arith.addi %scan3A_336, %scan3A_399 : i32
        %get3A_401 = arith.constant 2 : i32
        %get3A_402 = arith.index_cast %get3A_401 : i32 to index
        %get3A_403 = arith.index_cast %scan3A_400 : i32 to index
        %get3A_404 = arith.constant 0 : index
        %get3A_405 = tpu.vector_load %arg6[%get3A_402, %get3A_403, %get3A_404] {strides = array<i32>} : memref<4x128x64xf32, #tpu.memory_space<vmem>>, vector<1x1x16xf32>,
        %get3A_406 = vector.shape_cast %get3A_405 : vector<1x1x16xf32> to vector<16xf32>
        %mul3A_407 = arith.constant 8.000000e+00 : f32
        %mul3A_408 = vector.broadcast %mul3A_407 : f32 to vector<16xf32>
        %mul3A_409 = arith.mulf %get3A_406, %mul3A_408 : vector<16xf32>
        %swap3A_410 = arith.constant 2 : i32
        %swap3A_411 = arith.index_cast %swap3A_410 : i32 to index
        %swap3A_412 = arith.index_cast %scan3A_400 : i32 to index
        %swap3A_413 = arith.constant 0 : index
        %swap3A_414 = tpu.vector_load %arg6[%swap3A_411, %swap3A_412, %swap3A_413] {strides = array<i32>} : memref<4x128x64xf32, #tpu.memory_space<vmem>>, vector<1x1x16xf32>,
        %swap3A_415 = vector.shape_cast %swap3A_414 : vector<1x1x16xf32> to vector<16xf32>
        %swap3A_416 = vector.shape_cast %mul3A_409 : vector<16xf32> to vector<1x1x16xf32>
        tpu.vector_store %arg6[%swap3A_411, %swap3A_412, %swap3A_413], %swap3A_416 {strides = array<i32>} : memref<4x128x64xf32, #tpu.memory_space<vmem>>, vector<1x1x16xf32>,
        %get3A_417 = arith.constant 2 : i32
        %get3A_418 = arith.index_cast %get3A_417 : i32 to index
        %get3A_419 = arith.index_cast %scan3A_400 : i32 to index
        %get3A_420 = arith.constant 16 : index
        %get3A_421 = tpu.vector_load %arg6[%get3A_418, %get3A_419, %get3A_420] {strides = array<i32>} : memref<4x128x64xf32, #tpu.memory_space<vmem>>, vector<1x1x16xf32>,
        %get3A_422 = vector.shape_cast %get3A_421 : vector<1x1x16xf32> to vector<16xf32>
        %mul3A_423 = arith.constant 8.000000e+00 : f32
        %mul3A_424 = vector.broadcast %mul3A_423 : f32 to vector<16xf32>
        %mul3A_425 = arith.mulf %get3A_422, %mul3A_424 : vector<16xf32>
        %swap3A_426 = arith.constant 2 : i32
        %swap3A_427 = arith.index_cast %swap3A_426 : i32 to index
        %swap3A_428 = arith.index_cast %scan3A_400 : i32 to index
        %swap3A_429 = arith.constant 16 : index
        %swap3A_430 = tpu.vector_load %arg6[%swap3A_427, %swap3A_428, %swap3A_429] {strides = array<i32>} : memref<4x128x64xf32, #tpu.memory_space<vmem>>, vector<1x1x16xf32>,
        %swap3A_431 = vector.shape_cast %swap3A_430 : vector<1x1x16xf32> to vector<16xf32>
        %swap3A_432 = vector.shape_cast %mul3A_425 : vector<16xf32> to vector<1x1x16xf32>
        tpu.vector_store %arg6[%swap3A_427, %swap3A_428, %swap3A_429], %swap3A_432 {strides = array<i32>} : memref<4x128x64xf32, #tpu.memory_space<vmem>>, vector<1x1x16xf32>,
        %get3A_433 = arith.constant 2 : i32
        %get3A_434 = arith.index_cast %get3A_433 : i32 to index
        %get3A_435 = arith.index_cast %scan3A_400 : i32 to index
        %get3A_436 = arith.constant 32 : index
        %get3A_437 = tpu.vector_load %arg6[%get3A_434, %get3A_435, %get3A_436] {strides = array<i32>} : memref<4x128x64xf32, #tpu.memory_space<vmem>>, vector<1x1x16xf32>,
        %get3A_438 = vector.shape_cast %get3A_437 : vector<1x1x16xf32> to vector<16xf32>
        %mul3A_439 = arith.constant 8.000000e+00 : f32
        %mul3A_440 = vector.broadcast %mul3A_439 : f32 to vector<16xf32>
        %mul3A_441 = arith.mulf %get3A_438, %mul3A_440 : vector<16xf32>
        %swap3A_442 = arith.constant 2 : i32
        %swap3A_443 = arith.index_cast %swap3A_442 : i32 to index
        %swap3A_444 = arith.index_cast %scan3A_400 : i32 to index
        %swap3A_445 = arith.constant 32 : index
        %swap3A_446 = tpu.vector_load %arg6[%swap3A_443, %swap3A_444, %swap3A_445] {strides = array<i32>} : memref<4x128x64xf32, #tpu.memory_space<vmem>>, vector<1x1x16xf32>,
        %swap3A_447 = vector.shape_cast %swap3A_446 : vector<1x1x16xf32> to vector<16xf32>
        %swap3A_448 = vector.shape_cast %mul3A_441 : vector<16xf32> to vector<1x1x16xf32>
        tpu.vector_store %arg6[%swap3A_443, %swap3A_444, %swap3A_445], %swap3A_448 {strides = array<i32>} : memref<4x128x64xf32, #tpu.memory_space<vmem>>, vector<1x1x16xf32>,
        %get3A_449 = arith.constant 2 : i32
        %get3A_450 = arith.index_cast %get3A_449 : i32 to index
        %get3A_451 = arith.index_cast %scan3A_400 : i32 to index
        %get3A_452 = arith.constant 48 : index
        %get3A_453 = tpu.vector_load %arg6[%get3A_450, %get3A_451, %get3A_452] {strides = array<i32>} : memref<4x128x64xf32, #tpu.memory_space<vmem>>, vector<1x1x16xf32>,
        %get3A_454 = vector.shape_cast %get3A_453 : vector<1x1x16xf32> to vector<16xf32>
        %mul3A_455 = arith.constant 8.000000e+00 : f32
        %mul3A_456 = vector.broadcast %mul3A_455 : f32 to vector<16xf32>
        %mul3A_457 = arith.mulf %get3A_454, %mul3A_456 : vector<16xf32>
        %swap3A_458 = arith.constant 2 : i32
        %swap3A_459 = arith.index_cast %swap3A_458 : i32 to index
        %swap3A_460 = arith.index_cast %scan3A_400 : i32 to index
        %swap3A_461 = arith.constant 48 : index
        %swap3A_462 = tpu.vector_load %arg6[%swap3A_459, %swap3A_460, %swap3A_461] {strides = array<i32>} : memref<4x128x64xf32, #tpu.memory_space<vmem>>, vector<1x1x16xf32>,
        %swap3A_463 = vector.shape_cast %swap3A_462 : vector<1x1x16xf32> to vector<16xf32>
        %swap3A_464 = vector.shape_cast %mul3A_457 : vector<16xf32> to vector<1x1x16xf32>
        tpu.vector_store %arg6[%swap3A_459, %swap3A_460, %swap3A_461], %swap3A_464 {strides = array<i32>} : memref<4x128x64xf32, #tpu.memory_space<vmem>>, vector<1x1x16xf32>,
      }
      %scan3A_259 = arith.constant 128 : i32
      %mul3A_260 = arith.constant 128 : i32
      %mul3A_261 = arith.muli %add3A_239, %mul3A_260 : i32
      %add3A_262 = arith.addi %mul3A_2, %mul3A_261 : i32
      %dma_start3A_263 = arith.constant 2 : i32
      %dma_start3A_264 = arith.constant 2 : i32
      %dma_start3A_265 = arith.constant 0 : i32
      %dma_start3A_266 = arith.constant 0 : i32
      %dma_start3A_267 = tpu.memref_slice %arg6[%dma_start3A_263, %dma_start3A_265, %dma_start3A_266] : memref<4x128x64xf32, #tpu.memory_space<vmem>> -> memref<1x128x64xf32, #tpu.memory_space<vmem>>
      %dma_start3A_268 = tpu.memref_squeeze %dma_start3A_267 : memref<1x128x64xf32, #tpu.memory_space<vmem>> -> memref<128x64xf32, #tpu.memory_space<vmem>>
      %dma_start3A_269 = arith.constant 0 : i32
      %dma_start3A_270 = tpu.memref_slice %arg4[%add3A_262, %dma_start3A_269] : memref<819200x64xf32, #tpu.memory_space<hbm>> -> memref<128x64xf32, #tpu.memory_space<hbm>>
      %dma_start3A_271 = tpu.memref_slice %arg8[%dma_start3A_264] : memref<4x!tpu.dma_semaphore, #tpu.memory_space<semaphore_mem>> -> memref<1x!tpu.dma_semaphore, #tpu.memory_space<semaphore_mem>>
      %dma_start3A_272 = tpu.memref_squeeze %dma_start3A_271 : memref<1x!tpu.dma_semaphore, #tpu.memory_space<semaphore_mem>> -> memref<!tpu.dma_semaphore, #tpu.memory_space<semaphore_mem>>
      %dma_start3A_273 = arith.constant 0 : i32
      %dma_start3A_274 = tpu.memref_slice %arg4[%add3A_262, %dma_start3A_273] : memref<819200x64xf32, #tpu.memory_space<hbm>> -> memref<128x64xf32, #tpu.memory_space<hbm>>
      %dma_start3A_275 = arith.constant 0 : i32
      %dma_start3A_276 = arith.constant 0 : i32
      %dma_start3A_277 = tpu.memref_slice %arg6[%dma_start3A_263, %dma_start3A_275, %dma_start3A_276] : memref<4x128x64xf32, #tpu.memory_space<vmem>> -> memref<1x128x64xf32, #tpu.memory_space<vmem>>
      %dma_start3A_278 = tpu.memref_squeeze %dma_start3A_277 : memref<1x128x64xf32, #tpu.memory_space<vmem>> -> memref<128x64xf32, #tpu.memory_space<vmem>>
      tpu.enqueue_dma source(%dma_start3A_278 : memref<128x64xf32, #tpu.memory_space<vmem>>) target(%dma_start3A_274 : memref<128x64xf32, #tpu.memory_space<hbm>>) target_semaphore(%dma_start3A_272 : memref<!tpu.dma_semaphore, #tpu.memory_space<semaphore_mem>>)
      %add3A_279 = arith.constant 4 : i32
      %add3A_280 = arith.addi %add3A_239, %add3A_279 : i32
      %lt3A_281 = arith.constant 200 : i32
      %lt3A_282 = arith.cmpi slt, %add3A_280, %lt3A_281 : i32
      %convert_element_type3A_283 = arith.extui %lt3A_282 : i1 to i32
      %cond3A_284 = arith.constant 0 : i32
      %cond3A_285 = arith.cmpi ne, %convert_element_type3A_283, %cond3A_284 : i32
      scf.if %cond3A_285 {
        %mul3A_336 = arith.constant 128 : i32
        %mul3A_337 = arith.muli %add3A_239, %mul3A_336 : i32
        %add3A_338 = arith.addi %mul3A_2, %mul3A_337 : i32
        %dma_wait3A_339 = arith.constant 2 : i32
        %dma_wait3A_340 = arith.constant 2 : i32
        %dma_wait3A_341 = arith.constant 0 : i32
        %dma_wait3A_342 = arith.constant 0 : i32
        %dma_wait3A_343 = tpu.memref_slice %arg6[%dma_wait3A_339, %dma_wait3A_341, %dma_wait3A_342] : memref<4x128x64xf32, #tpu.memory_space<vmem>> -> memref<1x128x64xf32, #tpu.memory_space<vmem>>
        %dma_wait3A_344 = tpu.memref_squeeze %dma_wait3A_343 : memref<1x128x64xf32, #tpu.memory_space<vmem>> -> memref<128x64xf32, #tpu.memory_space<vmem>>
        %dma_wait3A_345 = arith.constant 0 : i32
        %dma_wait3A_346 = tpu.memref_slice %arg4[%add3A_338, %dma_wait3A_345] : memref<819200x64xf32, #tpu.memory_space<hbm>> -> memref<128x64xf32, #tpu.memory_space<hbm>>
        %dma_wait3A_347 = tpu.memref_slice %arg8[%dma_wait3A_340] : memref<4x!tpu.dma_semaphore, #tpu.memory_space<semaphore_mem>> -> memref<1x!tpu.dma_semaphore, #tpu.memory_space<semaphore_mem>>
        %dma_wait3A_348 = tpu.memref_squeeze %dma_wait3A_347 : memref<1x!tpu.dma_semaphore, #tpu.memory_space<semaphore_mem>> -> memref<!tpu.dma_semaphore, #tpu.memory_space<semaphore_mem>>
        %dma_wait3A_349 = arith.constant 0 : i32
        %dma_wait3A_350 = tpu.memref_slice %arg4[%add3A_338, %dma_wait3A_349] : memref<819200x64xf32, #tpu.memory_space<hbm>> -> memref<128x64xf32, #tpu.memory_space<hbm>>
        %dma_wait3A_351 = arith.constant 0 : i32
        %dma_wait3A_352 = arith.constant 0 : i32
        %dma_wait3A_353 = tpu.memref_slice %arg6[%dma_wait3A_339, %dma_wait3A_351, %dma_wait3A_352] : memref<4x128x64xf32, #tpu.memory_space<vmem>> -> memref<1x128x64xf32, #tpu.memory_space<vmem>>
        %dma_wait3A_354 = tpu.memref_squeeze %dma_wait3A_353 : memref<1x128x64xf32, #tpu.memory_space<vmem>> -> memref<128x64xf32, #tpu.memory_space<vmem>>
        tpu.wait_dma2 semaphore(%dma_wait3A_348 : memref<!tpu.dma_semaphore, #tpu.memory_space<semaphore_mem>>) src(%dma_wait3A_354 : memref<128x64xf32, #tpu.memory_space<vmem>>) dst(%dma_wait3A_350 : memref<128x64xf32, #tpu.memory_space<hbm>>)
        %add3A_355 = arith.constant 4 : i32
        %add3A_356 = arith.addi %add3A_239, %add3A_355 : i32
        %dma_start3A_357 = arith.constant 2 : i32
        %dma_start3A_358 = arith.constant 2 : i32
        %dma_start3A_359 = arith.constant 0 : i32
        %dma_start3A_360 = arith.constant 0 : i32
        %dma_start3A_361 = tpu.memref_slice %arg6[%dma_start3A_357, %dma_start3A_359, %dma_start3A_360] : memref<4x128x64xf32, #tpu.memory_space<vmem>> -> memref<1x128x64xf32, #tpu.memory_space<vmem>>
        %dma_start3A_362 = tpu.memref_squeeze %dma_start3A_361 : memref<1x128x64xf32, #tpu.memory_space<vmem>> -> memref<128x64xf32, #tpu.memory_space<vmem>>
        %dma_start3A_363 = arith.constant 0 : i32
        %dma_start3A_364 = tpu.memref_slice %arg5[%add3A_356, %dma_start3A_363] : memref<200x128xi32, #tpu.memory_space<vmem>> -> memref<1x128xi32, #tpu.memory_space<vmem>>
        %dma_start3A_365 = tpu.memref_squeeze %dma_start3A_364 : memref<1x128xi32, #tpu.memory_space<vmem>> -> memref<128xi32, #tpu.memory_space<vmem>>
        %dma_start3A_366 = arith.constant 0 : i32
        %dma_start3A_367 = arith.constant 0 : i32
        %dma_start3A_368 = tpu.memref_slice %arg3[%dma_start3A_366, %dma_start3A_367] : memref<1000000x64xf32, #tpu.memory_space<hbm>> -> memref<1000000x64xf32, #tpu.memory_space<hbm>>
        %dma_start3A_369 = tpu.memref_slice %arg7[%dma_start3A_358] : memref<4x!tpu.dma_semaphore, #tpu.memory_space<semaphore_mem>> -> memref<1x!tpu.dma_semaphore, #tpu.memory_space<semaphore_mem>>
        %dma_start3A_370 = tpu.memref_squeeze %dma_start3A_369 : memref<1x!tpu.dma_semaphore, #tpu.memory_space<semaphore_mem>> -> memref<!tpu.dma_semaphore, #tpu.memory_space<semaphore_mem>>
        tpu.enqueue_indirect_dma source(%dma_start3A_368 : memref<1000000x64xf32, #tpu.memory_space<hbm>>) target(%dma_start3A_362 : memref<128x64xf32, #tpu.memory_space<vmem>>) offsets(%dma_start3A_365 : memref<128xi32, #tpu.memory_space<vmem>>) semaphore(%dma_start3A_370 : memref<!tpu.dma_semaphore, #tpu.memory_space<semaphore_mem>>)
      } else {
      }
      %mul3A_286 = arith.constant 4 : i32
      %mul3A_287 = arith.muli %scan3A_138, %mul3A_286 : i32
      %add3A_288 = arith.constant 3 : i32
      %add3A_289 = arith.addi %mul3A_287, %add3A_288 : i32
      %dma_wait3A_290 = arith.constant 3 : i32
      %dma_wait3A_291 = arith.constant 3 : i32
      %dma_wait3A_292 = arith.constant 0 : i32
      %dma_wait3A_293 = arith.constant 0 : i32
      %dma_wait3A_294 = tpu.memref_slice %arg6[%dma_wait3A_290, %dma_wait3A_292, %dma_wait3A_293] : memref<4x128x64xf32, #tpu.memory_space<vmem>> -> memref<1x128x64xf32, #tpu.memory_space<vmem>>
      %dma_wait3A_295 = tpu.memref_squeeze %dma_wait3A_294 : memref<1x128x64xf32, #tpu.memory_space<vmem>> -> memref<128x64xf32, #tpu.memory_space<vmem>>
      %dma_wait3A_296 = arith.constant 0 : i32
      %dma_wait3A_297 = tpu.memref_slice %arg5[%add3A_289, %dma_wait3A_296] : memref<200x128xi32, #tpu.memory_space<vmem>> -> memref<1x128xi32, #tpu.memory_space<vmem>>
      %dma_wait3A_298 = tpu.memref_squeeze %dma_wait3A_297 : memref<1x128xi32, #tpu.memory_space<vmem>> -> memref<128xi32, #tpu.memory_space<vmem>>
      %dma_wait3A_299 = arith.constant 0 : i32
      %dma_wait3A_300 = arith.constant 0 : i32
      %dma_wait3A_301 = tpu.memref_slice %arg3[%dma_wait3A_299, %dma_wait3A_300] : memref<1000000x64xf32, #tpu.memory_space<hbm>> -> memref<1000000x64xf32, #tpu.memory_space<hbm>>
      %dma_wait3A_302 = tpu.memref_slice %arg7[%dma_wait3A_291] : memref<4x!tpu.dma_semaphore, #tpu.memory_space<semaphore_mem>> -> memref<1x!tpu.dma_semaphore, #tpu.memory_space<semaphore_mem>>
      %dma_wait3A_303 = tpu.memref_squeeze %dma_wait3A_302 : memref<1x!tpu.dma_semaphore, #tpu.memory_space<semaphore_mem>> -> memref<!tpu.dma_semaphore, #tpu.memory_space<semaphore_mem>>
      tpu.wait_indirect_dma semaphore(%dma_wait3A_303 : memref<!tpu.dma_semaphore, #tpu.memory_space<semaphore_mem>>) src(%dma_wait3A_301 : memref<1000000x64xf32, #tpu.memory_space<hbm>>) dst(%dma_wait3A_295 : memref<128x64xf32, #tpu.memory_space<vmem>>)
      %scan3A_304 = arith.constant 0 : i32
      %scan3A_305 = arith.constant 0 : i32
      %scan3A_306 = arith.constant 128 : i32
      %scan3A_307 = arith.addi %scan3A_305, %scan3A_306 : i32
      %scan3A_308 = arith.constant 2 : i32
      scf.for %scan3A_336 = %scan3A_305 to %scan3A_307 step %scan3A_308  : i32 {
        %get3A = arith.constant 3 : i32
        %get3A_337 = arith.index_cast %get3A : i32 to index
        %get3A_338 = arith.index_cast %scan3A_336 : i32 to index
        %get3A_339 = arith.constant 0 : index
        %get3A_340 = tpu.vector_load %arg6[%get3A_337, %get3A_338, %get3A_339] {strides = array<i32>} : memref<4x128x64xf32, #tpu.memory_space<vmem>>, vector<1x1x16xf32>,
        %get3A_341 = vector.shape_cast %get3A_340 : vector<1x1x16xf32> to vector<16xf32>
        %mul3A_342 = arith.constant 8.000000e+00 : f32
        %mul3A_343 = vector.broadcast %mul3A_342 : f32 to vector<16xf32>
        %mul3A_344 = arith.mulf %get3A_341, %mul3A_343 : vector<16xf32>
        %swap3A = arith.constant 3 : i32
        %swap3A_345 = arith.index_cast %swap3A : i32 to index
        %swap3A_346 = arith.index_cast %scan3A_336 : i32 to index
        %swap3A_347 = arith.constant 0 : index
        %swap3A_348 = tpu.vector_load %arg6[%swap3A_345, %swap3A_346, %swap3A_347] {strides = array<i32>} : memref<4x128x64xf32, #tpu.memory_space<vmem>>, vector<1x1x16xf32>,
        %swap3A_349 = vector.shape_cast %swap3A_348 : vector<1x1x16xf32> to vector<16xf32>
        %swap3A_350 = vector.shape_cast %mul3A_344 : vector<16xf32> to vector<1x1x16xf32>
        tpu.vector_store %arg6[%swap3A_345, %swap3A_346, %swap3A_347], %swap3A_350 {strides = array<i32>} : memref<4x128x64xf32, #tpu.memory_space<vmem>>, vector<1x1x16xf32>,
        %get3A_351 = arith.constant 3 : i32
        %get3A_352 = arith.index_cast %get3A_351 : i32 to index
        %get3A_353 = arith.index_cast %scan3A_336 : i32 to index
        %get3A_354 = arith.constant 16 : index
        %get3A_355 = tpu.vector_load %arg6[%get3A_352, %get3A_353, %get3A_354] {strides = array<i32>} : memref<4x128x64xf32, #tpu.memory_space<vmem>>, vector<1x1x16xf32>,
        %get3A_356 = vector.shape_cast %get3A_355 : vector<1x1x16xf32> to vector<16xf32>
        %mul3A_357 = arith.constant 8.000000e+00 : f32
        %mul3A_358 = vector.broadcast %mul3A_357 : f32 to vector<16xf32>
        %mul3A_359 = arith.mulf %get3A_356, %mul3A_358 : vector<16xf32>
        %swap3A_360 = arith.constant 3 : i32
        %swap3A_361 = arith.index_cast %swap3A_360 : i32 to index
        %swap3A_362 = arith.index_cast %scan3A_336 : i32 to index
        %swap3A_363 = arith.constant 16 : index
        %swap3A_364 = tpu.vector_load %arg6[%swap3A_361, %swap3A_362, %swap3A_363] {strides = array<i32>} : memref<4x128x64xf32, #tpu.memory_space<vmem>>, vector<1x1x16xf32>,
        %swap3A_365 = vector.shape_cast %swap3A_364 : vector<1x1x16xf32> to vector<16xf32>
        %swap3A_366 = vector.shape_cast %mul3A_359 : vector<16xf32> to vector<1x1x16xf32>
        tpu.vector_store %arg6[%swap3A_361, %swap3A_362, %swap3A_363], %swap3A_366 {strides = array<i32>} : memref<4x128x64xf32, #tpu.memory_space<vmem>>, vector<1x1x16xf32>,
        %get3A_367 = arith.constant 3 : i32
        %get3A_368 = arith.index_cast %get3A_367 : i32 to index
        %get3A_369 = arith.index_cast %scan3A_336 : i32 to index
        %get3A_370 = arith.constant 32 : index
        %get3A_371 = tpu.vector_load %arg6[%get3A_368, %get3A_369, %get3A_370] {strides = array<i32>} : memref<4x128x64xf32, #tpu.memory_space<vmem>>, vector<1x1x16xf32>,
        %get3A_372 = vector.shape_cast %get3A_371 : vector<1x1x16xf32> to vector<16xf32>
        %mul3A_373 = arith.constant 8.000000e+00 : f32
        %mul3A_374 = vector.broadcast %mul3A_373 : f32 to vector<16xf32>
        %mul3A_375 = arith.mulf %get3A_372, %mul3A_374 : vector<16xf32>
        %swap3A_376 = arith.constant 3 : i32
        %swap3A_377 = arith.index_cast %swap3A_376 : i32 to index
        %swap3A_378 = arith.index_cast %scan3A_336 : i32 to index
        %swap3A_379 = arith.constant 32 : index
        %swap3A_380 = tpu.vector_load %arg6[%swap3A_377, %swap3A_378, %swap3A_379] {strides = array<i32>} : memref<4x128x64xf32, #tpu.memory_space<vmem>>, vector<1x1x16xf32>,
        %swap3A_381 = vector.shape_cast %swap3A_380 : vector<1x1x16xf32> to vector<16xf32>
        %swap3A_382 = vector.shape_cast %mul3A_375 : vector<16xf32> to vector<1x1x16xf32>
        tpu.vector_store %arg6[%swap3A_377, %swap3A_378, %swap3A_379], %swap3A_382 {strides = array<i32>} : memref<4x128x64xf32, #tpu.memory_space<vmem>>, vector<1x1x16xf32>,
        %get3A_383 = arith.constant 3 : i32
        %get3A_384 = arith.index_cast %get3A_383 : i32 to index
        %get3A_385 = arith.index_cast %scan3A_336 : i32 to index
        %get3A_386 = arith.constant 48 : index
        %get3A_387 = tpu.vector_load %arg6[%get3A_384, %get3A_385, %get3A_386] {strides = array<i32>} : memref<4x128x64xf32, #tpu.memory_space<vmem>>, vector<1x1x16xf32>,
        %get3A_388 = vector.shape_cast %get3A_387 : vector<1x1x16xf32> to vector<16xf32>
        %mul3A_389 = arith.constant 8.000000e+00 : f32
        %mul3A_390 = vector.broadcast %mul3A_389 : f32 to vector<16xf32>
        %mul3A_391 = arith.mulf %get3A_388, %mul3A_390 : vector<16xf32>
        %swap3A_392 = arith.constant 3 : i32
        %swap3A_393 = arith.index_cast %swap3A_392 : i32 to index
        %swap3A_394 = arith.index_cast %scan3A_336 : i32 to index
        %swap3A_395 = arith.constant 48 : index
        %swap3A_396 = tpu.vector_load %arg6[%swap3A_393, %swap3A_394, %swap3A_395] {strides = array<i32>} : memref<4x128x64xf32, #tpu.memory_space<vmem>>, vector<1x1x16xf32>,
        %swap3A_397 = vector.shape_cast %swap3A_396 : vector<1x1x16xf32> to vector<16xf32>
        %swap3A_398 = vector.shape_cast %mul3A_391 : vector<16xf32> to vector<1x1x16xf32>
        tpu.vector_store %arg6[%swap3A_393, %swap3A_394, %swap3A_395], %swap3A_398 {strides = array<i32>} : memref<4x128x64xf32, #tpu.memory_space<vmem>>, vector<1x1x16xf32>,
        %scan3A_399 = arith.constant 1 : i32
        %scan3A_400 = arith.addi %scan3A_336, %scan3A_399 : i32
        %get3A_401 = arith.constant 3 : i32
        %get3A_402 = arith.index_cast %get3A_401 : i32 to index
        %get3A_403 = arith.index_cast %scan3A_400 : i32 to index
        %get3A_404 = arith.constant 0 : index
        %get3A_405 = tpu.vector_load %arg6[%get3A_402, %get3A_403, %get3A_404] {strides = array<i32>} : memref<4x128x64xf32, #tpu.memory_space<vmem>>, vector<1x1x16xf32>,
        %get3A_406 = vector.shape_cast %get3A_405 : vector<1x1x16xf32> to vector<16xf32>
        %mul3A_407 = arith.constant 8.000000e+00 : f32
        %mul3A_408 = vector.broadcast %mul3A_407 : f32 to vector<16xf32>
        %mul3A_409 = arith.mulf %get3A_406, %mul3A_408 : vector<16xf32>
        %swap3A_410 = arith.constant 3 : i32
        %swap3A_411 = arith.index_cast %swap3A_410 : i32 to index
        %swap3A_412 = arith.index_cast %scan3A_400 : i32 to index
        %swap3A_413 = arith.constant 0 : index
        %swap3A_414 = tpu.vector_load %arg6[%swap3A_411, %swap3A_412, %swap3A_413] {strides = array<i32>} : memref<4x128x64xf32, #tpu.memory_space<vmem>>, vector<1x1x16xf32>,
        %swap3A_415 = vector.shape_cast %swap3A_414 : vector<1x1x16xf32> to vector<16xf32>
        %swap3A_416 = vector.shape_cast %mul3A_409 : vector<16xf32> to vector<1x1x16xf32>
        tpu.vector_store %arg6[%swap3A_411, %swap3A_412, %swap3A_413], %swap3A_416 {strides = array<i32>} : memref<4x128x64xf32, #tpu.memory_space<vmem>>, vector<1x1x16xf32>,
        %get3A_417 = arith.constant 3 : i32
        %get3A_418 = arith.index_cast %get3A_417 : i32 to index
        %get3A_419 = arith.index_cast %scan3A_400 : i32 to index
        %get3A_420 = arith.constant 16 : index
        %get3A_421 = tpu.vector_load %arg6[%get3A_418, %get3A_419, %get3A_420] {strides = array<i32>} : memref<4x128x64xf32, #tpu.memory_space<vmem>>, vector<1x1x16xf32>,
        %get3A_422 = vector.shape_cast %get3A_421 : vector<1x1x16xf32> to vector<16xf32>
        %mul3A_423 = arith.constant 8.000000e+00 : f32
        %mul3A_424 = vector.broadcast %mul3A_423 : f32 to vector<16xf32>
        %mul3A_425 = arith.mulf %get3A_422, %mul3A_424 : vector<16xf32>
        %swap3A_426 = arith.constant 3 : i32
        %swap3A_427 = arith.index_cast %swap3A_426 : i32 to index
        %swap3A_428 = arith.index_cast %scan3A_400 : i32 to index
        %swap3A_429 = arith.constant 16 : index
        %swap3A_430 = tpu.vector_load %arg6[%swap3A_427, %swap3A_428, %swap3A_429] {strides = array<i32>} : memref<4x128x64xf32, #tpu.memory_space<vmem>>, vector<1x1x16xf32>,
        %swap3A_431 = vector.shape_cast %swap3A_430 : vector<1x1x16xf32> to vector<16xf32>
        %swap3A_432 = vector.shape_cast %mul3A_425 : vector<16xf32> to vector<1x1x16xf32>
        tpu.vector_store %arg6[%swap3A_427, %swap3A_428, %swap3A_429], %swap3A_432 {strides = array<i32>} : memref<4x128x64xf32, #tpu.memory_space<vmem>>, vector<1x1x16xf32>,
        %get3A_433 = arith.constant 3 : i32
        %get3A_434 = arith.index_cast %get3A_433 : i32 to index
        %get3A_435 = arith.index_cast %scan3A_400 : i32 to index
        %get3A_436 = arith.constant 32 : index
        %get3A_437 = tpu.vector_load %arg6[%get3A_434, %get3A_435, %get3A_436] {strides = array<i32>} : memref<4x128x64xf32, #tpu.memory_space<vmem>>, vector<1x1x16xf32>,
        %get3A_438 = vector.shape_cast %get3A_437 : vector<1x1x16xf32> to vector<16xf32>
        %mul3A_439 = arith.constant 8.000000e+00 : f32
        %mul3A_440 = vector.broadcast %mul3A_439 : f32 to vector<16xf32>
        %mul3A_441 = arith.mulf %get3A_438, %mul3A_440 : vector<16xf32>
        %swap3A_442 = arith.constant 3 : i32
        %swap3A_443 = arith.index_cast %swap3A_442 : i32 to index
        %swap3A_444 = arith.index_cast %scan3A_400 : i32 to index
        %swap3A_445 = arith.constant 32 : index
        %swap3A_446 = tpu.vector_load %arg6[%swap3A_443, %swap3A_444, %swap3A_445] {strides = array<i32>} : memref<4x128x64xf32, #tpu.memory_space<vmem>>, vector<1x1x16xf32>,
        %swap3A_447 = vector.shape_cast %swap3A_446 : vector<1x1x16xf32> to vector<16xf32>
        %swap3A_448 = vector.shape_cast %mul3A_441 : vector<16xf32> to vector<1x1x16xf32>
        tpu.vector_store %arg6[%swap3A_443, %swap3A_444, %swap3A_445], %swap3A_448 {strides = array<i32>} : memref<4x128x64xf32, #tpu.memory_space<vmem>>, vector<1x1x16xf32>,
        %get3A_449 = arith.constant 3 : i32
        %get3A_450 = arith.index_cast %get3A_449 : i32 to index
        %get3A_451 = arith.index_cast %scan3A_400 : i32 to index
        %get3A_452 = arith.constant 48 : index
        %get3A_453 = tpu.vector_load %arg6[%get3A_450, %get3A_451, %get3A_452] {strides = array<i32>} : memref<4x128x64xf32, #tpu.memory_space<vmem>>, vector<1x1x16xf32>,
        %get3A_454 = vector.shape_cast %get3A_453 : vector<1x1x16xf32> to vector<16xf32>
        %mul3A_455 = arith.constant 8.000000e+00 : f32
        %mul3A_456 = vector.broadcast %mul3A_455 : f32 to vector<16xf32>
        %mul3A_457 = arith.mulf %get3A_454, %mul3A_456 : vector<16xf32>
        %swap3A_458 = arith.constant 3 : i32
        %swap3A_459 = arith.index_cast %swap3A_458 : i32 to index
        %swap3A_460 = arith.index_cast %scan3A_400 : i32 to index
        %swap3A_461 = arith.constant 48 : index
        %swap3A_462 = tpu.vector_load %arg6[%swap3A_459, %swap3A_460, %swap3A_461] {strides = array<i32>} : memref<4x128x64xf32, #tpu.memory_space<vmem>>, vector<1x1x16xf32>,
        %swap3A_463 = vector.shape_cast %swap3A_462 : vector<1x1x16xf32> to vector<16xf32>
        %swap3A_464 = vector.shape_cast %mul3A_457 : vector<16xf32> to vector<1x1x16xf32>
        tpu.vector_store %arg6[%swap3A_459, %swap3A_460, %swap3A_461], %swap3A_464 {strides = array<i32>} : memref<4x128x64xf32, #tpu.memory_space<vmem>>, vector<1x1x16xf32>,
      }
      %scan3A_309 = arith.constant 128 : i32
      %mul3A_310 = arith.constant 128 : i32
      %mul3A_311 = arith.muli %add3A_289, %mul3A_310 : i32
      %add3A_312 = arith.addi %mul3A_2, %mul3A_311 : i32
      %dma_start3A_313 = arith.constant 3 : i32
      %dma_start3A_314 = arith.constant 3 : i32
      %dma_start3A_315 = arith.constant 0 : i32
      %dma_start3A_316 = arith.constant 0 : i32
      %dma_start3A_317 = tpu.memref_slice %arg6[%dma_start3A_313, %dma_start3A_315, %dma_start3A_316] : memref<4x128x64xf32, #tpu.memory_space<vmem>> -> memref<1x128x64xf32, #tpu.memory_space<vmem>>
      %dma_start3A_318 = tpu.memref_squeeze %dma_start3A_317 : memref<1x128x64xf32, #tpu.memory_space<vmem>> -> memref<128x64xf32, #tpu.memory_space<vmem>>
      %dma_start3A_319 = arith.constant 0 : i32
      %dma_start3A_320 = tpu.memref_slice %arg4[%add3A_312, %dma_start3A_319] : memref<819200x64xf32, #tpu.memory_space<hbm>> -> memref<128x64xf32, #tpu.memory_space<hbm>>
      %dma_start3A_321 = tpu.memref_slice %arg8[%dma_start3A_314] : memref<4x!tpu.dma_semaphore, #tpu.memory_space<semaphore_mem>> -> memref<1x!tpu.dma_semaphore, #tpu.memory_space<semaphore_mem>>
      %dma_start3A_322 = tpu.memref_squeeze %dma_start3A_321 : memref<1x!tpu.dma_semaphore, #tpu.memory_space<semaphore_mem>> -> memref<!tpu.dma_semaphore, #tpu.memory_space<semaphore_mem>>
      %dma_start3A_323 = arith.constant 0 : i32
      %dma_start3A_324 = tpu.memref_slice %arg4[%add3A_312, %dma_start3A_323] : memref<819200x64xf32, #tpu.memory_space<hbm>> -> memref<128x64xf32, #tpu.memory_space<hbm>>
      %dma_start3A_325 = arith.constant 0 : i32
      %dma_start3A_326 = arith.constant 0 : i32
      %dma_start3A_327 = tpu.memref_slice %arg6[%dma_start3A_313, %dma_start3A_325, %dma_start3A_326] : memref<4x128x64xf32, #tpu.memory_space<vmem>> -> memref<1x128x64xf32, #tpu.memory_space<vmem>>
      %dma_start3A_328 = tpu.memref_squeeze %dma_start3A_327 : memref<1x128x64xf32, #tpu.memory_space<vmem>> -> memref<128x64xf32, #tpu.memory_space<vmem>>
      tpu.enqueue_dma source(%dma_start3A_328 : memref<128x64xf32, #tpu.memory_space<vmem>>) target(%dma_start3A_324 : memref<128x64xf32, #tpu.memory_space<hbm>>) target_semaphore(%dma_start3A_322 : memref<!tpu.dma_semaphore, #tpu.memory_space<semaphore_mem>>)
      %add3A_329 = arith.constant 4 : i32
      %add3A_330 = arith.addi %add3A_289, %add3A_329 : i32
      %lt3A_331 = arith.constant 200 : i32
      %lt3A_332 = arith.cmpi slt, %add3A_330, %lt3A_331 : i32
      %convert_element_type3A_333 = arith.extui %lt3A_332 : i1 to i32
      %cond3A_334 = arith.constant 0 : i32
      %cond3A_335 = arith.cmpi ne, %convert_element_type3A_333, %cond3A_334 : i32
      scf.if %cond3A_335 {
        %mul3A_336 = arith.constant 128 : i32
        %mul3A_337 = arith.muli %add3A_289, %mul3A_336 : i32
        %add3A_338 = arith.addi %mul3A_2, %mul3A_337 : i32
        %dma_wait3A_339 = arith.constant 3 : i32
        %dma_wait3A_340 = arith.constant 3 : i32
        %dma_wait3A_341 = arith.constant 0 : i32
        %dma_wait3A_342 = arith.constant 0 : i32
        %dma_wait3A_343 = tpu.memref_slice %arg6[%dma_wait3A_339, %dma_wait3A_341, %dma_wait3A_342] : memref<4x128x64xf32, #tpu.memory_space<vmem>> -> memref<1x128x64xf32, #tpu.memory_space<vmem>>
        %dma_wait3A_344 = tpu.memref_squeeze %dma_wait3A_343 : memref<1x128x64xf32, #tpu.memory_space<vmem>> -> memref<128x64xf32, #tpu.memory_space<vmem>>
        %dma_wait3A_345 = arith.constant 0 : i32
        %dma_wait3A_346 = tpu.memref_slice %arg4[%add3A_338, %dma_wait3A_345] : memref<819200x64xf32, #tpu.memory_space<hbm>> -> memref<128x64xf32, #tpu.memory_space<hbm>>
        %dma_wait3A_347 = tpu.memref_slice %arg8[%dma_wait3A_340] : memref<4x!tpu.dma_semaphore, #tpu.memory_space<semaphore_mem>> -> memref<1x!tpu.dma_semaphore, #tpu.memory_space<semaphore_mem>>
        %dma_wait3A_348 = tpu.memref_squeeze %dma_wait3A_347 : memref<1x!tpu.dma_semaphore, #tpu.memory_space<semaphore_mem>> -> memref<!tpu.dma_semaphore, #tpu.memory_space<semaphore_mem>>
        %dma_wait3A_349 = arith.constant 0 : i32
        %dma_wait3A_350 = tpu.memref_slice %arg4[%add3A_338, %dma_wait3A_349] : memref<819200x64xf32, #tpu.memory_space<hbm>> -> memref<128x64xf32, #tpu.memory_space<hbm>>
        %dma_wait3A_351 = arith.constant 0 : i32
        %dma_wait3A_352 = arith.constant 0 : i32
        %dma_wait3A_353 = tpu.memref_slice %arg6[%dma_wait3A_339, %dma_wait3A_351, %dma_wait3A_352] : memref<4x128x64xf32, #tpu.memory_space<vmem>> -> memref<1x128x64xf32, #tpu.memory_space<vmem>>
        %dma_wait3A_354 = tpu.memref_squeeze %dma_wait3A_353 : memref<1x128x64xf32, #tpu.memory_space<vmem>> -> memref<128x64xf32, #tpu.memory_space<vmem>>
        tpu.wait_dma2 semaphore(%dma_wait3A_348 : memref<!tpu.dma_semaphore, #tpu.memory_space<semaphore_mem>>) src(%dma_wait3A_354 : memref<128x64xf32, #tpu.memory_space<vmem>>) dst(%dma_wait3A_350 : memref<128x64xf32, #tpu.memory_space<hbm>>)
        %add3A_355 = arith.constant 4 : i32
        %add3A_356 = arith.addi %add3A_289, %add3A_355 : i32
        %dma_start3A_357 = arith.constant 3 : i32
        %dma_start3A_358 = arith.constant 3 : i32
        %dma_start3A_359 = arith.constant 0 : i32
        %dma_start3A_360 = arith.constant 0 : i32
        %dma_start3A_361 = tpu.memref_slice %arg6[%dma_start3A_357, %dma_start3A_359, %dma_start3A_360] : memref<4x128x64xf32, #tpu.memory_space<vmem>> -> memref<1x128x64xf32, #tpu.memory_space<vmem>>
        %dma_start3A_362 = tpu.memref_squeeze %dma_start3A_361 : memref<1x128x64xf32, #tpu.memory_space<vmem>> -> memref<128x64xf32, #tpu.memory_space<vmem>>
        %dma_start3A_363 = arith.constant 0 : i32
        %dma_start3A_364 = tpu.memref_slice %arg5[%add3A_356, %dma_start3A_363] : memref<200x128xi32, #tpu.memory_space<vmem>> -> memref<1x128xi32, #tpu.memory_space<vmem>>
        %dma_start3A_365 = tpu.memref_squeeze %dma_start3A_364 : memref<1x128xi32, #tpu.memory_space<vmem>> -> memref<128xi32, #tpu.memory_space<vmem>>
        %dma_start3A_366 = arith.constant 0 : i32
        %dma_start3A_367 = arith.constant 0 : i32
        %dma_start3A_368 = tpu.memref_slice %arg3[%dma_start3A_366, %dma_start3A_367] : memref<1000000x64xf32, #tpu.memory_space<hbm>> -> memref<1000000x64xf32, #tpu.memory_space<hbm>>
        %dma_start3A_369 = tpu.memref_slice %arg7[%dma_start3A_358] : memref<4x!tpu.dma_semaphore, #tpu.memory_space<semaphore_mem>> -> memref<1x!tpu.dma_semaphore, #tpu.memory_space<semaphore_mem>>
        %dma_start3A_370 = tpu.memref_squeeze %dma_start3A_369 : memref<1x!tpu.dma_semaphore, #tpu.memory_space<semaphore_mem>> -> memref<!tpu.dma_semaphore, #tpu.memory_space<semaphore_mem>>
        tpu.enqueue_indirect_dma source(%dma_start3A_368 : memref<1000000x64xf32, #tpu.memory_space<hbm>>) target(%dma_start3A_362 : memref<128x64xf32, #tpu.memory_space<vmem>>) offsets(%dma_start3A_365 : memref<128xi32, #tpu.memory_space<vmem>>) semaphore(%dma_start3A_370 : memref<!tpu.dma_semaphore, #tpu.memory_space<semaphore_mem>>)
      } else {
      }
    }
    %scan3A_66 = arith.constant 50 : i32
    %add3A_67 = arith.constant 25088 : i32
    %add3A_68 = arith.addi %mul3A_2, %add3A_67 : i32
    %dma_wait3A = arith.constant 0 : i32
    %dma_wait3A_69 = arith.constant 0 : i32
    %dma_wait3A_70 = arith.constant 0 : i32
    %dma_wait3A_71 = arith.constant 0 : i32
    %dma_wait3A_72 = tpu.memref_slice %arg6[%dma_wait3A, %dma_wait3A_70, %dma_wait3A_71] : memref<4x128x64xf32, #tpu.memory_space<vmem>> -> memref<1x128x64xf32, #tpu.memory_space<vmem>>
    %dma_wait3A_73 = tpu.memref_squeeze %dma_wait3A_72 : memref<1x128x64xf32, #tpu.memory_space<vmem>> -> memref<128x64xf32, #tpu.memory_space<vmem>>
    %dma_wait3A_74 = arith.constant 0 : i32
    %dma_wait3A_75 = tpu.memref_slice %arg4[%add3A_68, %dma_wait3A_74] : memref<819200x64xf32, #tpu.memory_space<hbm>> -> memref<128x64xf32, #tpu.memory_space<hbm>>
    %dma_wait3A_76 = tpu.memref_slice %arg8[%dma_wait3A_69] : memref<4x!tpu.dma_semaphore, #tpu.memory_space<semaphore_mem>> -> memref<1x!tpu.dma_semaphore, #tpu.memory_space<semaphore_mem>>
    %dma_wait3A_77 = tpu.memref_squeeze %dma_wait3A_76 : memref<1x!tpu.dma_semaphore, #tpu.memory_space<semaphore_mem>> -> memref<!tpu.dma_semaphore, #tpu.memory_space<semaphore_mem>>
    %dma_wait3A_78 = arith.constant 0 : i32
    %dma_wait3A_79 = tpu.memref_slice %arg4[%add3A_68, %dma_wait3A_78] : memref<819200x64xf32, #tpu.memory_space<hbm>> -> memref<128x64xf32, #tpu.memory_space<hbm>>
    %dma_wait3A_80 = arith.constant 0 : i32
    %dma_wait3A_81 = arith.constant 0 : i32
    %dma_wait3A_82 = tpu.memref_slice %arg6[%dma_wait3A, %dma_wait3A_80, %dma_wait3A_81] : memref<4x128x64xf32, #tpu.memory_space<vmem>> -> memref<1x128x64xf32, #tpu.memory_space<vmem>>
    %dma_wait3A_83 = tpu.memref_squeeze %dma_wait3A_82 : memref<1x128x64xf32, #tpu.memory_space<vmem>> -> memref<128x64xf32, #tpu.memory_space<vmem>>
    tpu.wait_dma2 semaphore(%dma_wait3A_77 : memref<!tpu.dma_semaphore, #tpu.memory_space<semaphore_mem>>) src(%dma_wait3A_83 : memref<128x64xf32, #tpu.memory_space<vmem>>) dst(%dma_wait3A_79 : memref<128x64xf32, #tpu.memory_space<hbm>>)
    %add3A_84 = arith.constant 25216 : i32
    %add3A_85 = arith.addi %mul3A_2, %add3A_84 : i32
    %dma_wait3A_86 = arith.constant 1 : i32
    %dma_wait3A_87 = arith.constant 1 : i32
    %dma_wait3A_88 = arith.constant 0 : i32
    %dma_wait3A_89 = arith.constant 0 : i32
    %dma_wait3A_90 = tpu.memref_slice %arg6[%dma_wait3A_86, %dma_wait3A_88, %dma_wait3A_89] : memref<4x128x64xf32, #tpu.memory_space<vmem>> -> memref<1x128x64xf32, #tpu.memory_space<vmem>>
    %dma_wait3A_91 = tpu.memref_squeeze %dma_wait3A_90 : memref<1x128x64xf32, #tpu.memory_space<vmem>> -> memref<128x64xf32, #tpu.memory_space<vmem>>
    %dma_wait3A_92 = arith.constant 0 : i32
    %dma_wait3A_93 = tpu.memref_slice %arg4[%add3A_85, %dma_wait3A_92] : memref<819200x64xf32, #tpu.memory_space<hbm>> -> memref<128x64xf32, #tpu.memory_space<hbm>>
    %dma_wait3A_94 = tpu.memref_slice %arg8[%dma_wait3A_87] : memref<4x!tpu.dma_semaphore, #tpu.memory_space<semaphore_mem>> -> memref<1x!tpu.dma_semaphore, #tpu.memory_space<semaphore_mem>>
    %dma_wait3A_95 = tpu.memref_squeeze %dma_wait3A_94 : memref<1x!tpu.dma_semaphore, #tpu.memory_space<semaphore_mem>> -> memref<!tpu.dma_semaphore, #tpu.memory_space<semaphore_mem>>
    %dma_wait3A_96 = arith.constant 0 : i32
    %dma_wait3A_97 = tpu.memref_slice %arg4[%add3A_85, %dma_wait3A_96] : memref<819200x64xf32, #tpu.memory_space<hbm>> -> memref<128x64xf32, #tpu.memory_space<hbm>>
    %dma_wait3A_98 = arith.constant 0 : i32
    %dma_wait3A_99 = arith.constant 0 : i32
    %dma_wait3A_100 = tpu.memref_slice %arg6[%dma_wait3A_86, %dma_wait3A_98, %dma_wait3A_99] : memref<4x128x64xf32, #tpu.memory_space<vmem>> -> memref<1x128x64xf32, #tpu.memory_space<vmem>>
    %dma_wait3A_101 = tpu.memref_squeeze %dma_wait3A_100 : memref<1x128x64xf32, #tpu.memory_space<vmem>> -> memref<128x64xf32, #tpu.memory_space<vmem>>
    tpu.wait_dma2 semaphore(%dma_wait3A_95 : memref<!tpu.dma_semaphore, #tpu.memory_space<semaphore_mem>>) src(%dma_wait3A_101 : memref<128x64xf32, #tpu.memory_space<vmem>>) dst(%dma_wait3A_97 : memref<128x64xf32, #tpu.memory_space<hbm>>)
    %add3A_102 = arith.constant 25344 : i32
    %add3A_103 = arith.addi %mul3A_2, %add3A_102 : i32
    %dma_wait3A_104 = arith.constant 2 : i32
    %dma_wait3A_105 = arith.constant 2 : i32
    %dma_wait3A_106 = arith.constant 0 : i32
    %dma_wait3A_107 = arith.constant 0 : i32
    %dma_wait3A_108 = tpu.memref_slice %arg6[%dma_wait3A_104, %dma_wait3A_106, %dma_wait3A_107] : memref<4x128x64xf32, #tpu.memory_space<vmem>> -> memref<1x128x64xf32, #tpu.memory_space<vmem>>
    %dma_wait3A_109 = tpu.memref_squeeze %dma_wait3A_108 : memref<1x128x64xf32, #tpu.memory_space<vmem>> -> memref<128x64xf32, #tpu.memory_space<vmem>>
    %dma_wait3A_110 = arith.constant 0 : i32
    %dma_wait3A_111 = tpu.memref_slice %arg4[%add3A_103, %dma_wait3A_110] : memref<819200x64xf32, #tpu.memory_space<hbm>> -> memref<128x64xf32, #tpu.memory_space<hbm>>
    %dma_wait3A_112 = tpu.memref_slice %arg8[%dma_wait3A_105] : memref<4x!tpu.dma_semaphore, #tpu.memory_space<semaphore_mem>> -> memref<1x!tpu.dma_semaphore, #tpu.memory_space<semaphore_mem>>
    %dma_wait3A_113 = tpu.memref_squeeze %dma_wait3A_112 : memref<1x!tpu.dma_semaphore, #tpu.memory_space<semaphore_mem>> -> memref<!tpu.dma_semaphore, #tpu.memory_space<semaphore_mem>>
    %dma_wait3A_114 = arith.constant 0 : i32
    %dma_wait3A_115 = tpu.memref_slice %arg4[%add3A_103, %dma_wait3A_114] : memref<819200x64xf32, #tpu.memory_space<hbm>> -> memref<128x64xf32, #tpu.memory_space<hbm>>
    %dma_wait3A_116 = arith.constant 0 : i32
    %dma_wait3A_117 = arith.constant 0 : i32
    %dma_wait3A_118 = tpu.memref_slice %arg6[%dma_wait3A_104, %dma_wait3A_116, %dma_wait3A_117] : memref<4x128x64xf32, #tpu.memory_space<vmem>> -> memref<1x128x64xf32, #tpu.memory_space<vmem>>
    %dma_wait3A_119 = tpu.memref_squeeze %dma_wait3A_118 : memref<1x128x64xf32, #tpu.memory_space<vmem>> -> memref<128x64xf32, #tpu.memory_space<vmem>>
    tpu.wait_dma2 semaphore(%dma_wait3A_113 : memref<!tpu.dma_semaphore, #tpu.memory_space<semaphore_mem>>) src(%dma_wait3A_119 : memref<128x64xf32, #tpu.memory_space<vmem>>) dst(%dma_wait3A_115 : memref<128x64xf32, #tpu.memory_space<hbm>>)
    %add3A_120 = arith.constant 25472 : i32
    %add3A_121 = arith.addi %mul3A_2, %add3A_120 : i32
    %dma_wait3A_122 = arith.constant 3 : i32
    %dma_wait3A_123 = arith.constant 3 : i32
    %dma_wait3A_124 = arith.constant 0 : i32
    %dma_wait3A_125 = arith.constant 0 : i32
    %dma_wait3A_126 = tpu.memref_slice %arg6[%dma_wait3A_122, %dma_wait3A_124, %dma_wait3A_125] : memref<4x128x64xf32, #tpu.memory_space<vmem>> -> memref<1x128x64xf32, #tpu.memory_space<vmem>>
    %dma_wait3A_127 = tpu.memref_squeeze %dma_wait3A_126 : memref<1x128x64xf32, #tpu.memory_space<vmem>> -> memref<128x64xf32, #tpu.memory_space<vmem>>
    %dma_wait3A_128 = arith.constant 0 : i32
    %dma_wait3A_129 = tpu.memref_slice %arg4[%add3A_121, %dma_wait3A_128] : memref<819200x64xf32, #tpu.memory_space<hbm>> -> memref<128x64xf32, #tpu.memory_space<hbm>>
    %dma_wait3A_130 = tpu.memref_slice %arg8[%dma_wait3A_123] : memref<4x!tpu.dma_semaphore, #tpu.memory_space<semaphore_mem>> -> memref<1x!tpu.dma_semaphore, #tpu.memory_space<semaphore_mem>>
    %dma_wait3A_131 = tpu.memref_squeeze %dma_wait3A_130 : memref<1x!tpu.dma_semaphore, #tpu.memory_space<semaphore_mem>> -> memref<!tpu.dma_semaphore, #tpu.memory_space<semaphore_mem>>
    %dma_wait3A_132 = arith.constant 0 : i32
    %dma_wait3A_133 = tpu.memref_slice %arg4[%add3A_121, %dma_wait3A_132] : memref<819200x64xf32, #tpu.memory_space<hbm>> -> memref<128x64xf32, #tpu.memory_space<hbm>>
    %dma_wait3A_134 = arith.constant 0 : i32
    %dma_wait3A_135 = arith.constant 0 : i32
    %dma_wait3A_136 = tpu.memref_slice %arg6[%dma_wait3A_122, %dma_wait3A_134, %dma_wait3A_135] : memref<4x128x64xf32, #tpu.memory_space<vmem>> -> memref<1x128x64xf32, #tpu.memory_space<vmem>>
    %dma_wait3A_137 = tpu.memref_squeeze %dma_wait3A_136 : memref<1x128x64xf32, #tpu.memory_space<vmem>> -> memref<128x64xf32, #tpu.memory_space<vmem>>
    tpu.wait_dma2 semaphore(%dma_wait3A_131 : memref<!tpu.dma_semaphore, #tpu.memory_space<semaphore_mem>>) src(%dma_wait3A_137 : memref<128x64xf32, #tpu.memory_space<vmem>>) dst(%dma_wait3A_133 : memref<128x64xf32, #tpu.memory_space<hbm>>)
    return
  }
}

</mosaic_0001>

<sc_bundles>
// kernel: kernel.3.cloned.1.call-start
scs
__scs_entry_jumppad:
0x0: {  	(pc) =	sbr.rel $0x88, $3  }
0x1: {  	(tag) =	ssettag $0x0;
	lr =	simm.s32 $0x1  }
0x2: {  	[smem:$0x3F9F] =	sst lr;
	_ =	strace $0xD0000000  }
0x3: {  	_ = 	snop  }
0x4: {  	_ = 	snop  }
0x5: {  	_ = 	snop  }
0x6: {  	_ = 	snop  }
0x7: {  	_ = 	snop  }
__scs_overlays_trampoline_lowered:
0x8: {  	[smem:$0x3FAE] =	sst s0  }
0x9: {  	[smem:$0x3FAF] =	sst s1  }
0xa: {  	[smem:$0x3FB0] =	sst s2  }
0xb: {  	[smem:$0x3FB1] =	sst s3  }
0xc: {  	[smem:$0x3FB2] =	sst s4  }
0xd: {  	[smem:$0x3FB3] =	sst s5  }
0xe: {  	[smem:$0x3FB4] =	sst s6  }
0xf: {  	[smem:$0x3FB5] =	sst s7  }
0x10: {  	[smem:$0x3FB6] =	sst s8  }
0x11: {  	[smem:$0x3FB7] =	sst s9;
	s0 =	simm.s32 @!p0 $0x0  }
0x12: {  	s1 =	sld [smem:$0x3F9D];
	s0 =	simm.s32 @p0 $0x1  }
0x13: {  	[smem:$0x3FB8] =	sst s0;
	s0 =	simm.s32 @!p1 $0x0  }
0x14: {  	s2 =	sld [smem:$0x3F9C];
	s0 =	simm.s32 @p1 $0x1  }
0x15: {  	[smem:$0x3FB9] =	sst s0;
	s0 =	simm.s32 @!p2 $0x0  }
0x16: {  	s3 =	sld [smem:$0x3FDB];
	s0 =	simm.s32 @p2 $0x1  }
0x17: {  	s4 =	simm.s32 $0x1BF5;
	[smem:$0x3FBB] =	sst s0  }
0x18: {  	s0 =	sld [smem:$0x3F9E];
	_ =	swait.ge [sflag:s4], $0x0  }
0x19: {  	s7 =	sld [smem:$0x3F9F]  }
0x1a: {  	s8 =	sadd.s32 $0xFFFFE003, lr  }
0x1b: {  	s9 =	sadd.s32 $0xFFFFFEF7, lr;
	s5 =	simm.s32 $0xFFFFFFFF;
	p2 =	slt.u32 s8, $0xFFFFF086  }
0x1c: {  	p1 =	slt.u32 s9, $0xF7A;
	s5 =	simm.s32 @!p2 $0x0  }
0x1d: {  	s5 =	simm.s32 @p1 $0x1;
	p0 =	seq.s32 s7, s2  }
0x1e: {  	s7 =	smul.u32 @!p0 $0xF7A, s2;
	p2 =	seq.s32 @!p0 s5, $0x0  }
0x1f: {  	s9 =	smul.u32 $0xF7A, s1;
	s8 =	simm.s32 @!p0 $0x1BF5;
	p2 =	por !p2, p0  }
0x20: {  	[sflag:s8] =	ssyncset.s32 @!p0 $0xFFFFF086;
	s6 =	sadd.s32 @!p0 s3, s7;
	s7 =	simm.s32 @!p0 $0x108  }
0x21: {  	s3 =	sadd.s32 s3, s9;
	s6 =	sadd.s32 @!p0 $0x88, s6;
	s7 =	simm.s32 @p2 $0x1082  }
0x22: {  	[simem:s7], [sflag:s8] =	dma.local @!p0 [hbm:s6], $0xF7A  }
0x23: {  	s9 =	sor.u32 $0xD0000000, s2;
	s6 =	simm.s32 $0x108;
	_ =	swait.ge @!p0 [sflag:s8], $0x0  }
0x24: {  	s3 =	sadd.s32 $0x88, s3;
	s6 =	simm.s32 @!p1 $0x1082;
	[sflag:s4] =	ssyncset.s32 $0xFFFFF086  }
0x25: {  	[simem:s6], [sflag:s4] =	dma.local [hbm:s3], $0xF7A  }
0x26: {  	[smem:$0x3F9F] =	sst s1;
	(tag) =	ssettag s2;
	_ =	strace s9  }
0x27: {  	s1 =	sld [smem:$0x3FAF]  }
0x28: {  	s2 =	sld [smem:$0x3FB0]  }
0x29: {  	s4 =	sld [smem:$0x3FB2]  }
0x2a: {  	p0 =	seq.s32 s5, $0x0;
	s5 =	sld [smem:$0x3FB3]  }
0x2b: {  	s6 =	sld [smem:$0x3FB4]  }
0x2c: {  	s7 =	sld [smem:$0x3FB5]  }
0x2d: {  	s3 =	simm.s32 $0x108;
	s8 =	sld [smem:$0x3FB6]  }
0x2e: {  	s3 =	simm.s32 @!p0 $0x1082;
	s9 =	sld [smem:$0x3FB7]  }
0x2f: {  	lr =	sadd.s32 s0, s3;
	s0 =	sld [smem:$0x3FAE]  }
0x30: {  	s3 =	sld [smem:$0x3FB1]  }
0x31: {  	[smem:$0x3FBA] =	sst s10  }
0x32: {  	s10 =	sld [smem:$0x3FB8];
	_ =	sdelay $0x3  }
0x33: {  	p0 =	seq.s32 s10, $0x1;
	s10 =	sld [smem:$0x3FBA];
	_ =	sdelay $0x3  }
0x34: {  	[smem:$0x3FBA] =	sst s10  }
0x35: {  	s10 =	sld [smem:$0x3FB9];
	_ =	sdelay $0x3  }
0x36: {  	p1 =	seq.s32 s10, $0x1;
	s10 =	sld [smem:$0x3FBA];
	_ =	sdelay $0x3  }
0x37: {  	[smem:$0x3FBA] =	sst s10  }
0x38: {  	s10 =	sld [smem:$0x3FBB]  }
0x39: {  	_ = 	snop;
	(pc) =	sbr.ind lr, $3  }
0x3a: {  	_ = 	snop  }
0x3b: {  	_ = 	snop  }
0x3c: {  	p2 =	seq.s32 s10, $0x1;
	s10 =	sld [smem:$0x3FBA]  }
0x3d: {  	_ =	shalt  }
0x3e: {  	_ =	shalt  }
0x3f: {  	_ =	shalt  }
0x40: {  	_ =	shalt  }
0x41: {  	_ =	shalt  }
0x42: {  	_ =	shalt  }
0x43: {  	_ =	shalt  }
0x44: {  	_ =	shalt  }
0x45: {  	_ =	shalt  }
0x46: {  	_ =	shalt  }
0x47: {  	_ =	shalt  }
0x48: {  	_ =	shalt  }
0x49: {  	_ =	shalt  }
0x4a: {  	_ =	shalt  }
0x4b: {  	_ =	shalt  }
0x4c: {  	_ =	shalt  }
0x4d: {  	_ =	shalt  }
0x4e: {  	_ =	shalt  }
0x4f: {  	_ =	shalt  }
0x50: {  	_ =	shalt  }
0x51: {  	_ =	shalt  }
0x52: {  	_ =	shalt  }
0x53: {  	_ =	shalt  }
0x54: {  	_ =	shalt  }
0x55: {  	_ =	shalt  }
0x56: {  	_ =	shalt  }
0x57: {  	_ =	shalt  }
0x58: {  	_ =	shalt  }
0x59: {  	_ =	shalt  }
0x5a: {  	_ =	shalt  }
0x5b: {  	_ =	shalt  }
0x5c: {  	_ =	shalt  }
0x5d: {  	_ =	shalt  }
0x5e: {  	_ =	shalt  }
0x5f: {  	_ =	shalt  }
0x60: {  	_ =	shalt  }
0x61: {  	_ =	shalt  }
0x62: {  	_ =	shalt  }
0x63: {  	_ =	shalt  }
0x64: {  	_ =	shalt  }
0x65: {  	_ =	shalt  }
0x66: {  	_ =	shalt  }
0x67: {  	_ =	shalt  }
0x68: {  	_ =	shalt  }
0x69: {  	_ =	shalt  }
0x6a: {  	_ =	shalt  }
0x6b: {  	_ =	shalt  }
0x6c: {  	_ =	shalt  }
0x6d: {  	_ =	shalt  }
0x6e: {  	_ =	shalt  }
0x6f: {  	_ =	shalt  }
0x70: {  	_ =	shalt  }
0x71: {  	_ =	shalt  }
0x72: {  	_ =	shalt  }
0x73: {  	_ =	shalt  }
0x74: {  	_ =	shalt  }
0x75: {  	_ =	shalt  }
0x76: {  	_ =	shalt  }
0x77: {  	_ =	shalt  }
0x78: {  	_ =	shalt  }
0x79: {  	_ =	shalt  }
0x7a: {  	_ =	shalt  }
0x7b: {  	_ =	shalt  }
0x7c: {  	_ =	shalt  }
0x7d: {  	_ =	shalt  }
0x7e: {  	_ =	shalt  }
0x7f: {  	_ =	shalt  }
0x80: {  	_ =	shalt  }
0x81: {  	_ =	shalt  }
0x82: {  	_ =	shalt  }
0x83: {  	_ =	shalt  }
0x84: {  	_ =	shalt  }
0x85: {  	_ =	shalt  }
0x86: {  	_ =	shalt  }
0x87: {  	_ =	shalt  }
.Lfunc_end0:
.L_simem_size_0:
called_computation.1_lowered:
.L_overlay_start_0:
0x88: {  	s2 =	sld [smem:$0x3FD9]  }
0x89: {  	s3 =	sld [smem:$0x3FFE];
	_ =	sdelay $0x1  }
0x8a: {  	s1 =	srdreg.scid  }
0x8b: {  	s0 =	sand.u32 $0x1, s1  }
0x8c: {  	s17 =	sshll.u32 s0, $0xA;
	s2 =	sadd.s32 s3, s2  }
0x8d: {  	s2 =	sadd.s32 s2, s17  }
0x8e: {  	[smem:$0x3FC6] =	sst s2  }
0x8f: {  	_ = 	snop  }
0x90: {  	s2 =	sld [smem:$0x3FD0];
	(tm) =	ssettm $0x1  }
0x91: {  	s18 =	sld [smem:$0x3FFB];
	_ =	sdelay $0x3  }
0x92: {  	_ =	strace s18  }
0x93: {  	s3 =	sld [smem:$0x3FFC];
	_ =	sdelay $0x3  }
0x94: {  	_ =	strace s3  }
0x95: {  	s3 =	sld [smem:$0x3FFD];
	_ =	sdelay $0x3  }
0x96: {  	_ =	strace s3  }
0x97: {  	_ =	strace $0x8FFFFFFF  }
0x98: {  	s19 =	sld [smem:$0x3FDB];
	_ =	sdelay $0x1  }
0x99: {  	s4 =	simm.s32 $_scs_section_size  }
0x9a: {  	s5 =	simm.s32 $_size__tile_overlayer_lowered;
	s6 =	simm.s32 $_tile_overlayer_lowered  }
0x9b: {  	s22 =	simm.s32 $0x1BFF;
	s21 =	sshll.u32 s6, $0x1;
	s3 =	sadd.s32 s4, s19  }
0x9c: {  	s7 =	simm.s32 $0x0;
	s20 =	sshll.u32 s5, $0x1;
	s5 =	sadd.s32 s21, s3  }
0x9d: {  	[timem:s7], [sflag:s22] =	dma.local [hbm:s5], s20  }
0x9e: {  	_ =	swait.ge [sflag:s22], s20  }
0x9f: {  	s4 =	ssub.s32 $0x0, s20;
	[sflag:s22] =	ssyncset.done $0x0  }
0xa0: {  	[sflag:s22] =	ssyncadd.s32 s4;
	_ =	sdelay $0x1  }
0xa1: {  	s23 =	simm.s32 $0x1B8B  }
0xa2: {  	_ =	swait.ge [sflag:s23], $0x1  }
0xa3: {  	[sflag:s23] =	ssyncset.done $0x0  }
0xa4: {  	s25 =	simm.s32 $0x1B8E;
	s24 =	sld [smem:$0x3FFE];
	[sflag:s23] =	ssyncadd.s32 $0xFFFFFFFF  }
0xa5: {  	s26 =	simm.s32 $execute0_lowered;
	[smem:$0x3FD2] =	sst s25  }
0xa6: {  	s5 =	sshll.u32 s26, $0x1;
	_ =	strace $0x80000046;
	[dreg:$0x1] =	wrdreg $0xFFFFFFFF  }
0xa7: {  	s28 =	simm.s32 $_size_execute0_lowered;
	s3 =	sadd.s32 s3, s5;
	[dreg:$0x0] =	wrdreg $0x0  }
0xa8: {  	s5 =	sshll.u32 s28, $0x1;
	[dreg:$0x2] =	wrdreg s3  }
0xa9: {  	[dreg:$0x3] =	wrdreg s5  }
0xaa: {  	[dreg:$0x4] =	wrdreg $0xC0  }
0xab: {  	_ =	task [dreg:s7], $0x5FFFF  }
0xac: {  	[dreg:$0x1] =	wrdreg $0xFFFFFFFF  }
0xad: {  	[dreg:$0x0] =	wrdreg $0x60  }
0xae: {  	[dreg:$0x2] =	wrdreg s24  }
0xaf: {  	[dreg:$0x3] =	wrdreg s2  }
0xb0: {  	[dreg:$0x4] =	wrdreg $0x9  }
0xb1: {  	_ =	task.clear_ibuf [dreg:s7], $0x5FFFF;
	_ =	strace $0x90000046  }
0xb2: {  	s29 =	simm.s32 $0x9;
	_ =	strace $0x80000048  }
0xb3: {  	_ =	swait.ge [sflag:s29], $0x1  }
0xb4: {  	[sflag:s29] =	ssyncadd.s32 $0xFFFFFFFF  }
0xb5: {  	_ =	strace $0x90000048  }
0xb6: {  	_ =	sfence  }
0xb7: {  	s30 =	sld [smem:$0x0];
	_ =	sdelay $0x2  }
0xb8: {  	s31 =	sshll.u32 s1, $0xD;
	s1 =	sshrl.u32 s1, $0x2  }
0xb9: {  	s3 =	sand.u32 $0x4000, s31;
	s1 =	sadd.s32 s1, s30  }
0xba: {  	s0 =	sor.u32 s3, s0;
	s1 =	sshll.u32 s1, $0x11  }
0xbb: {  	s0 =	sor.u32 s1, s0  }
0xbc: {  	s0 =	sadd.s32 $0x8F2B, s0  }
0xbd: {  	[sflag:s0] =	ssyncadd.remote.s32 $0x1  }
0xbe: {  	_ =	sfence.sel $0xFFFF  }
0xbf: {  	[dreg:$0x0] =	wrdreg $0xFFFFFFFF;
	(pc) =	sbr.abs _section_cstart, $3  }
0xc0: {  	[dreg:$0x1] =	wrdreg $0xFFFFFFFF  }
0xc1: {  	_ =	task.clear_ibuf [dreg:s7], $0x2FFFF;
	_ =	strace $0x9FFFFFFF  }
0xc2: {  	(tm) =	ssettm $0x7FFFFFFF  }
0xc3: {  	_ =	shalt  }
tec
execute0_lowered:
.L_overlay_start_1:
0x0: {  	(tag) =	ssettag $0x1  }
0x1: {  	s0 =	srdreg.scid  }
0x2: {  	s2 =	stileid.u32;
	s1 =	rddreg [dreg:$0x0]  }
0x3: {  	s11 =	simm.s32 $0x9;
	s12 =	simm.s32 $0x80;
	s13 =	simm.s32 $0x6400  }
0x4: {  	s14 =	simm.s32 $0x8400;
	s16 =	simm.s32 $0xA400;
	s18 =	simm.s32 $0xC400  }
0x5: {  	s19 =	simm.s32 $0x1;
	s20 =	simm.s32 $0x2;
	s21 =	simm.s32 $0x3  }
0x6: {  	s22 =	simm.s32 $0x4;
	s23 =	simm.s32 $0x5;
	s24 =	simm.s32 $0x6  }
0x7: {  	s25 =	simm.s32 $0x7;
	s0 =	sand.u32 $0x1, s0;
	s3 =	sshll.u32 s2, $0x1  }
0x8: {  	s26 =	simm.s32 $0x8;
	s28 =	simm.s32 $0x0;
	s6 =	sor.u32 s0, s3  }
0x9: {  	s2 =	rddreg [dreg:$0x1];
	s3 =	simm.s32 $0x0;
	s9 =	smul.u32 $0x6400, s6  }
.Ltmp0:
0xa: {  	s0 =	ssub.s32 $0x2, s0;
	[smem:$0x7FF] =	sst s3;
	(pc) =	sbr.rel .LBB2_1-.Ltmp0, $4  }
0xb: {  	s31 =	sshrl.u32 s0, $0x1;
	s6 =	smul.u32 $0x190000, s6;
	_ =	strace $0x80000047  }
0xc: {  	s0 =	ssub.s32 s0, s31;
	s4 =	sshrl.u32 s9, $0x3;
	s7 =	sor.u32 $0x80, s9  }
0xd: {  	s8 =	sor.u32 $0x100, s9;
	s9 =	sor.u32 $0x180, s9;
	s5 =	sadd.s32 s4, s1  }
0xe: {  	s10 =	smax.u32 s0, $0x1;
	s4 =	sadd.s32 $0xF42E00, s1;
	s5 =	sadd.s32 $0xA00, s5  }
.LBB2_12:
0xf: {  	_ =	swait.ge [sflag:s23], $0x2000  }
0x10: {  	[sflag:s23] =	ssyncset.done $0x0  }
0x11: {  	[sflag:s23] =	ssyncadd.s32 $0xFFFFE000  }
0x12: {  	_ =	swait.ge [sflag:s24], $0x2000  }
0x13: {  	[sflag:s24] =	ssyncset.done $0x0  }
0x14: {  	s28 =	sadd.s32 $0x1, s28;
	[sflag:s24] =	ssyncadd.s32 $0xFFFFE000  }
0x15: {  	p0 =	sne.s32 s28, s10;
	_ =	swait.ge [sflag:s25], $0x2000  }
.Ltmp1:
0x16: {  	[sflag:s25] =	ssyncset.done $0x0;
	(pc) =	sbr.rel @!p0 .LBB2_13-.Ltmp1, $4  }
0x17: {  	[sflag:s25] =	ssyncadd.s32 $0xFFFFE000  }
0x18: {  	_ =	swait.ge [sflag:s26], $0x2000  }
0x19: {  	[sflag:s26] =	ssyncset.done $0x0  }
0x1a: {  	[sflag:s26] =	ssyncadd.s32 $0xFFFFE000  }
.LBB2_1:
0x1b: {  	[tilespmem:s3], [sflag:$0x9] =	stream.linear.gather [hbm4b:s5+s3], $0x6400, $0x38;
	[tilespmem:$0xE400] =	vst v63  }
0x1c: {  	_ =	swait.ge [sflag:s11], $0x6400  }
0x1d: {  	[sflag:s11] =	ssyncset.done $0x0  }
0x1e: {  	[sflag:s11] =	ssyncadd.s32 $0xFFFF9C00  }
0x1f: {  	[tilespmem:s13], [sflag:$0x1] =	stream.indirect.gather [hbm4b:s4+s12], $0x40, s3, s12, $0xb8;
	[tilespmem:$0xE400] =	vst v63  }
0x20: {  	_ = 	snop  }
0x21: {  	[tilespmem:s14], [sflag:$0x2] =	stream.indirect.gather [hbm4b:s4+s12], $0x40, s12, s12, $0xb8;
	[tilespmem:$0xE400] =	vst v63  }
0x22: {  	s0 =	simm.s32 $0x100  }
0x23: {  	[tilespmem:s16], [sflag:$0x3] =	stream.indirect.gather [hbm4b:s4+s12], $0x40, s0, s12, $0xb8;
	[tilespmem:$0xE400] =	vst v63  }
0x24: {  	s31 =	simm.s32 $0x180;
	s29 =	simm.s32 $0x0  }
0x25: {  	[tilespmem:s18], [sflag:$0x4] =	stream.indirect.gather [hbm4b:s4+s12], $0x40, s31, s12, $0xb8;
	[tilespmem:$0xE400] =	vst v63  }
.LBB2_2:
0x26: {  	_ =	swait.ge [sflag:s19], $0x2000  }
0x27: {  	[sflag:s19] =	ssyncset.done $0x0  }
0x28: {  	s0 =	simm.s32 $0x6440;
	[sflag:s19] =	ssyncadd.s32 $0xFFFFE000  }
0x29: {  	v1 =	vld [tilespmem:s0+$0xFFFFFFC0];
	_ =	sdelay $0x1  }
0x2a: {  	v4 =	vld [tilespmem:s0+$0xFFFFFFD0]  }
0x2b: {  	v6 =	vld [tilespmem:s0+$0xFFFFFFE0]  }
0x2c: {  	v2 =	vld [tilespmem:s0+$0x0]  }
0x2d: {  	v0 =	vld [tilespmem:s0+$0x10];
	v5 =	vmul.f32 $8.000000000e+00, v1  }
0x2e: {  	v3 =	vld [tilespmem:s0+$0x20]  }
0x2f: {  	v1 =	vld [tilespmem:s0+$0x30];
	[tilespmem:s0+$0xFFFFFFC0] =	vst v5;
	v5 =	vmul.f32 $8.000000000e+00, v4  }
0x30: {  	s1 =	simm.s32 $0x0;
	s15 =	simm.s32 $0x64C0;
	v6 =	vmul.f32 $8.000000000e+00, v6;
	v4 =	vld [tilespmem:s0+$0xFFFFFFF0]  }
.LBB2_3:
0x31: {  	v7 =	vld [tilespmem:s15+$0xFFFFFFC0];
	[tilespmem:s0+$0xFFFFFFD0] =	vst v5;
	v2 =	vmul.f32 $8.000000000e+00, v2  }
0x32: {  	s1 =	sadd.s32 $0x2, s1;
	v5 =	vld [tilespmem:s15+$0xFFFFFFD0];
	[tilespmem:s0+$0xFFFFFFE0] =	vst v6;
	v0 =	vmul.f32 $8.000000000e+00, v0  }
0x33: {  	p0 =	slt.u32 s1, $0x7E;
	v6 =	vld [tilespmem:s15+$0xFFFFFFE0];
	[tilespmem:s0+$0x0] =	vst v2;
	v3 =	vmul.f32 $8.000000000e+00, v3  }
.Ltmp2:
0x34: {  	v2 =	vld [tilespmem:s15+$0x0];
	[tilespmem:s0+$0x10] =	vst v0;
	v1 =	vmul.f32 $8.000000000e+00, v1;
	(pc) =	sbr.rel @p0 .LBB2_3-.Ltmp2, $4  }
0x35: {  	v0 =	vld [tilespmem:s15+$0x10];
	v4 =	vmul.f32 $8.000000000e+00, v4;
	[tilespmem:s0+$0x20] =	vst v3  }
0x36: {  	v7 =	vmul.f32 $8.000000000e+00, v7;
	v3 =	vld [tilespmem:s15+$0x20];
	[tilespmem:s0+$0x30] =	vst v1  }
0x37: {  	v5 =	vmul.f32 $8.000000000e+00, v5;
	v1 =	vld [tilespmem:s15+$0x30];
	[tilespmem:s0+$0xFFFFFFF0] =	vst v4;
	s0 =	smov.u32 s15  }
0x38: {  	s15 =	sadd.s32 $0x80, s15;
	[tilespmem:s0+$0xFFFFFFC0] =	vst v7;
	v6 =	vmul.f32 $8.000000000e+00, v6;
	v4 =	vld [tilespmem:s0+$0xFFFFFFF0]  }
0x39: {  	[tilespmem:s0+$0xFFFFFFD0] =	vst v5;
	v2 =	vmul.f32 $8.000000000e+00, v2  }
0x3a: {  	[tilespmem:s0+$0xFFFFFFE0] =	vst v6;
	v0 =	vmul.f32 $8.000000000e+00, v0  }
0x3b: {  	[tilespmem:s0+$0x0] =	vst v2;
	v2 =	vmul.f32 $8.000000000e+00, v3  }
0x3c: {  	s1 =	sshll.u32 s29, $0xF;
	[tilespmem:s0+$0x10] =	vst v0;
	v0 =	vmul.f32 $8.000000000e+00, v1  }
0x3d: {  	s1 =	sadd.s32 s6, s1;
	v1 =	vmul.f32 $8.000000000e+00, v4;
	[tilespmem:s0+$0x20] =	vst v2  }
0x3e: {  	p0 =	seq.s32 s29, $0x31;
	s1 =	sshrl.u32 s1, $0x3;
	[tilespmem:s0+$0x30] =	vst v0  }
0x3f: {  	s17 =	sadd.s32 s2, s1;
	[tilespmem:s0+$0xFFFFFFF0] =	vst v1;
	s0 =	simm.s32 @!p0 $0x5  }
0x40: {  	[hbm4b:s17+s3] =	stream.linear.scatter [tilespmem:s13], [sflag:$0x5], $0x2000, $0x38;
	[tilespmem:$0xE400] =	vst v63  }
0x41: {  	s30 =	sshll.u32 s29, $0xB;
	_ =	swait.ge @!p0 [sflag:s0], $0x2000  }
0x42: {  	s15 =	simm.s32 @!p0 $0x80;
	s1 =	sshrl.u32 @!p0 s30, $0x2;
	[sflag:s0] =	ssyncset.done @!p0 $0x0  }
0x43: {  	s17 =	simm.s32 @!p0 $0x6400;
	[sflag:s0] =	ssyncadd.s32 @!p0 $0xFFFFE000;
	s0 =	sadd.s32 @!p0 $0x200, s1  }
0x44: {  	[tilespmem:s17], [sflag:$0x1] =	stream.indirect.gather @!p0 [hbm4b:s4+s15], $0x40, s0, s15, $0xb8;
	[tilespmem:$0xE400] =	vst v63  }
0x45: {  	_ =	swait.ge [sflag:s20], $0x2000  }
0x46: {  	[sflag:s20] =	ssyncset.done $0x0  }
0x47: {  	s0 =	simm.s32 $0x8470;
	[sflag:s20] =	ssyncadd.s32 $0xFFFFE000  }
0x48: {  	v0 =	vld [tilespmem:s0+$0xFFFFFF90]  }
0x49: {  	v4 =	vld [tilespmem:s0+$0xFFFFFFA0]  }
0x4a: {  	v6 =	vld [tilespmem:s0+$0xFFFFFFB0]  }
0x4b: {  	v2 =	vld [tilespmem:s0+$0xFFFFFFC0]  }
0x4c: {  	v1 =	vld [tilespmem:s0+$0xFFFFFFD0]  }
0x4d: {  	v3 =	vld [tilespmem:s0+$0xFFFFFFE0];
	v7 =	vmul.f32 $8.000000000e+00, v0  }
0x4e: {  	v0 =	vld [tilespmem:s0+$0x0];
	v5 =	vmul.f32 $8.000000000e+00, v4  }
0x4f: {  	s31 =	simm.s32 $0x84F0;
	s15 =	simm.s32 $0x0;
	v6 =	vmul.f32 $8.000000000e+00, v6;
	v4 =	vld [tilespmem:s0+$0xFFFFFFF0];
	[tilespmem:s0+$0xFFFFFF90] =	vst v7  }
.LBB2_5:
0x50: {  	v7 =	vld [tilespmem:s31+$0xFFFFFF90];
	[tilespmem:s0+$0xFFFFFFA0] =	vst v5;
	v2 =	vmul.f32 $8.000000000e+00, v2  }
0x51: {  	s15 =	sadd.s32 $0x2, s15;
	v5 =	vld [tilespmem:s31+$0xFFFFFFA0];
	[tilespmem:s0+$0xFFFFFFB0] =	vst v6;
	v1 =	vmul.f32 $8.000000000e+00, v1  }
0x52: {  	p1 =	slt.u32 s15, $0x7E;
	v6 =	vld [tilespmem:s31+$0xFFFFFFB0];
	[tilespmem:s0+$0xFFFFFFC0] =	vst v2;
	v3 =	vmul.f32 $8.000000000e+00, v3  }
.Ltmp3:
0x53: {  	v2 =	vld [tilespmem:s31+$0xFFFFFFC0];
	[tilespmem:s0+$0xFFFFFFD0] =	vst v1;
	v0 =	vmul.f32 $8.000000000e+00, v0;
	(pc) =	sbr.rel @p1 .LBB2_5-.Ltmp3, $4  }
0x54: {  	v1 =	vld [tilespmem:s31+$0xFFFFFFD0];
	[tilespmem:s0+$0xFFFFFFE0] =	vst v3;
	v4 =	vmul.f32 $8.000000000e+00, v4  }
0x55: {  	v7 =	vmul.f32 $8.000000000e+00, v7;
	v3 =	vld [tilespmem:s31+$0xFFFFFFE0];
	[tilespmem:s0+$0x0] =	vst v0  }
0x56: {  	v5 =	vmul.f32 $8.000000000e+00, v5;
	v0 =	vld [tilespmem:s31+$0x0];
	[tilespmem:s0+$0xFFFFFFF0] =	vst v4;
	s0 =	smov.u32 s31  }
0x57: {  	s31 =	sadd.s32 $0x80, s31;
	[tilespmem:s0+$0xFFFFFF90] =	vst v7;
	v6 =	vmul.f32 $8.000000000e+00, v6;
	v4 =	vld [tilespmem:s0+$0xFFFFFFF0]  }
0x58: {  	[tilespmem:s0+$0xFFFFFFA0] =	vst v5;
	v2 =	vmul.f32 $8.000000000e+00, v2  }
0x59: {  	[tilespmem:s0+$0xFFFFFFB0] =	vst v6;
	v1 =	vmul.f32 $8.000000000e+00, v1  }
0x5a: {  	s31 =	sshll.u32 s29, $0x9;
	[tilespmem:s0+$0xFFFFFFC0] =	vst v2;
	v2 =	vmul.f32 $8.000000000e+00, v3  }
0x5b: {  	s15 =	sadd.s32 s31, s7;
	[tilespmem:s0+$0xFFFFFFD0] =	vst v1;
	v0 =	vmul.f32 $8.000000000e+00, v0  }
0x5c: {  	s15 =	sshll.u32 s15, $0x3;
	[tilespmem:s0+$0xFFFFFFE0] =	vst v2;
	v1 =	vmul.f32 $8.000000000e+00, v4  }
0x5d: {  	s15 =	sand.u32 $0x1FFFF400, s15;
	[tilespmem:s0+$0x0] =	vst v0  }
0x5e: {  	s17 =	sadd.s32 s2, s15;
	[tilespmem:s0+$0xFFFFFFF0] =	vst v1;
	s0 =	simm.s32 @!p0 $0x6  }
0x5f: {  	[hbm4b:s17+s3] =	stream.linear.scatter [tilespmem:s14], [sflag:$0x6], $0x2000, $0x38;
	[tilespmem:$0xE400] =	vst v63  }
0x60: {  	_ =	swait.ge @!p0 [sflag:s0], $0x2000  }
0x61: {  	s15 =	simm.s32 @!p0 $0x80;
	[sflag:s0] =	ssyncset.done @!p0 $0x0  }
0x62: {  	s17 =	simm.s32 @!p0 $0x8400;
	[sflag:s0] =	ssyncadd.s32 @!p0 $0xFFFFE000;
	s0 =	sadd.s32 @!p0 $0x280, s1  }
0x63: {  	[tilespmem:s17], [sflag:$0x2] =	stream.indirect.gather @!p0 [hbm4b:s4+s15], $0x40, s0, s15, $0xb8;
	[tilespmem:$0xE400] =	vst v63  }
0x64: {  	_ =	swait.ge [sflag:s21], $0x2000  }
0x65: {  	[sflag:s21] =	ssyncset.done $0x0  }
0x66: {  	s0 =	simm.s32 $0xA400;
	[sflag:s21] =	ssyncadd.s32 $0xFFFFE000  }
0x67: {  	v0 =	vld [tilespmem:s0+$0x20]  }
0x68: {  	v5 =	vld [tilespmem:s0+$0x0]  }
0x69: {  	v6 =	vld [tilespmem:s0+$0x70]  }
0x6a: {  	v4 =	vld [tilespmem:s0+$0x60]  }
0x6b: {  	v1 =	vld [tilespmem:s0+$0x50]  }
0x6c: {  	v2 =	vld [tilespmem:s0+$0x40];
	v7 =	vmul.f32 $8.000000000e+00, v0  }
0x6d: {  	v3 =	vld [tilespmem:s0+$0x30];
	v5 =	vmul.f32 $8.000000000e+00, v5  }
0x6e: {  	s15 =	simm.s32 $0x0;
	s17 =	simm.s32 $0xA480;
	v0 =	vld [tilespmem:s0+$0x10];
	v6 =	vmul.f32 $8.000000000e+00, v6;
	[tilespmem:s0+$0x20] =	vst v7  }
.LBB2_7:
0x6f: {  	v7 =	vld [tilespmem:s17+$0x20];
	s15 =	sadd.s32 $0x2, s15;
	[tilespmem:s0+$0x0] =	vst v5;
	v4 =	vmul.f32 $8.000000000e+00, v4  }
0x70: {  	v5 =	vld [tilespmem:s17+$0x0];
	p1 =	slt.u32 s15, $0x7E;
	v1 =	vmul.f32 $8.000000000e+00, v1;
	[tilespmem:s0+$0x70] =	vst v6  }
0x71: {  	v6 =	vld [tilespmem:s17+$0x70];
	v2 =	vmul.f32 $8.000000000e+00, v2;
	[tilespmem:s0+$0x60] =	vst v4  }
.Ltmp4:
0x72: {  	v4 =	vld [tilespmem:s17+$0x60];
	v3 =	vmul.f32 $8.000000000e+00, v3;
	[tilespmem:s0+$0x50] =	vst v1;
	(pc) =	sbr.rel @p1 .LBB2_7-.Ltmp4, $4  }
0x73: {  	v1 =	vld [tilespmem:s17+$0x50];
	v0 =	vmul.f32 $8.000000000e+00, v0;
	[tilespmem:s0+$0x40] =	vst v2  }
0x74: {  	v7 =	vmul.f32 $8.000000000e+00, v7;
	v2 =	vld [tilespmem:s17+$0x40];
	[tilespmem:s0+$0x30] =	vst v3  }
0x75: {  	v5 =	vmul.f32 $8.000000000e+00, v5;
	v3 =	vld [tilespmem:s17+$0x30];
	[tilespmem:s0+$0x10] =	vst v0;
	s0 =	smov.u32 s17  }
0x76: {  	s17 =	sadd.s32 $0x80, s17;
	v0 =	vld [tilespmem:s0+$0x10];
	[tilespmem:s0+$0x20] =	vst v7;
	v6 =	vmul.f32 $8.000000000e+00, v6  }
0x77: {  	[tilespmem:s0+$0x0] =	vst v5;
	v4 =	vmul.f32 $8.000000000e+00, v4  }
0x78: {  	v1 =	vmul.f32 $8.000000000e+00, v1;
	[tilespmem:s0+$0x70] =	vst v6  }
0x79: {  	v2 =	vmul.f32 $8.000000000e+00, v2;
	[tilespmem:s0+$0x60] =	vst v4  }
0x7a: {  	s15 =	sadd.s32 s31, s8;
	v3 =	vmul.f32 $8.000000000e+00, v3;
	[tilespmem:s0+$0x50] =	vst v1  }
0x7b: {  	s15 =	sshll.u32 s15, $0x3;
	v0 =	vmul.f32 $8.000000000e+00, v0;
	[tilespmem:s0+$0x40] =	vst v2  }
0x7c: {  	s15 =	sand.u32 $0x1FFFF800, s15;
	[tilespmem:s0+$0x30] =	vst v3  }
0x7d: {  	s17 =	sadd.s32 s2, s15;
	[tilespmem:s0+$0x10] =	vst v0;
	s0 =	simm.s32 @!p0 $0x7  }
0x7e: {  	[hbm4b:s17+s3] =	stream.linear.scatter [tilespmem:s16], [sflag:$0x7], $0x2000, $0x38;
	[tilespmem:$0xE400] =	vst v63  }
0x7f: {  	_ =	swait.ge @!p0 [sflag:s0], $0x2000  }
0x80: {  	s15 =	simm.s32 @!p0 $0xA400;
	[sflag:s0] =	ssyncset.done @!p0 $0x0  }
0x81: {  	[sflag:s0] =	ssyncadd.s32 @!p0 $0xFFFFE000;
	s0 =	sadd.s32 @!p0 $0x300, s1;
	s1 =	simm.s32 @!p0 $0x80  }
0x82: {  	[tilespmem:s15], [sflag:$0x3] =	stream.indirect.gather @!p0 [hbm4b:s4+s1], $0x40, s0, s1, $0xb8;
	[tilespmem:$0xE400] =	vst v63  }
0x83: {  	_ =	swait.ge [sflag:s22], $0x2000  }
0x84: {  	[sflag:s22] =	ssyncset.done $0x0  }
0x85: {  	s0 =	simm.s32 $0xC400;
	[sflag:s22] =	ssyncadd.s32 $0xFFFFE000  }
0x86: {  	v0 =	vld [tilespmem:s0+$0x20]  }
0x87: {  	v5 =	vld [tilespmem:s0+$0x0]  }
0x88: {  	v6 =	vld [tilespmem:s0+$0x70]  }
0x89: {  	v4 =	vld [tilespmem:s0+$0x60]  }
0x8a: {  	v1 =	vld [tilespmem:s0+$0x50]  }
0x8b: {  	v2 =	vld [tilespmem:s0+$0x40];
	v7 =	vmul.f32 $8.000000000e+00, v0  }
0x8c: {  	v3 =	vld [tilespmem:s0+$0x30];
	v5 =	vmul.f32 $8.000000000e+00, v5  }
0x8d: {  	s1 =	simm.s32 $0x0;
	s15 =	simm.s32 $0xC480;
	v0 =	vld [tilespmem:s0+$0x10];
	v6 =	vmul.f32 $8.000000000e+00, v6;
	[tilespmem:s0+$0x20] =	vst v7  }
.LBB2_9:
0x8e: {  	v7 =	vld [tilespmem:s15+$0x20];
	s1 =	sadd.s32 $0x2, s1;
	[tilespmem:s0+$0x0] =	vst v5;
	v4 =	vmul.f32 $8.000000000e+00, v4  }
0x8f: {  	v5 =	vld [tilespmem:s15+$0x0];
	p1 =	slt.u32 s1, $0x7E;
	v1 =	vmul.f32 $8.000000000e+00, v1;
	[tilespmem:s0+$0x70] =	vst v6  }
0x90: {  	v6 =	vld [tilespmem:s15+$0x70];
	v2 =	vmul.f32 $8.000000000e+00, v2;
	[tilespmem:s0+$0x60] =	vst v4  }
.Ltmp5:
0x91: {  	v4 =	vld [tilespmem:s15+$0x60];
	v3 =	vmul.f32 $8.000000000e+00, v3;
	[tilespmem:s0+$0x50] =	vst v1;
	(pc) =	sbr.rel @p1 .LBB2_9-.Ltmp5, $4  }
0x92: {  	v1 =	vld [tilespmem:s15+$0x50];
	v0 =	vmul.f32 $8.000000000e+00, v0;
	[tilespmem:s0+$0x40] =	vst v2  }
0x93: {  	v7 =	vmul.f32 $8.000000000e+00, v7;
	v2 =	vld [tilespmem:s15+$0x40];
	[tilespmem:s0+$0x30] =	vst v3  }
0x94: {  	v5 =	vmul.f32 $8.000000000e+00, v5;
	v3 =	vld [tilespmem:s15+$0x30];
	[tilespmem:s0+$0x10] =	vst v0;
	s0 =	smov.u32 s15  }
0x95: {  	s15 =	sadd.s32 $0x80, s15;
	v0 =	vld [tilespmem:s0+$0x10];
	[tilespmem:s0+$0x20] =	vst v7;
	v6 =	vmul.f32 $8.000000000e+00, v6  }
0x96: {  	[tilespmem:s0+$0x0] =	vst v5;
	v4 =	vmul.f32 $8.000000000e+00, v4  }
0x97: {  	v1 =	vmul.f32 $8.000000000e+00, v1;
	[tilespmem:s0+$0x70] =	vst v6  }
0x98: {  	v2 =	vmul.f32 $8.000000000e+00, v2;
	[tilespmem:s0+$0x60] =	vst v4  }
.Ltmp6:
0x99: {  	s1 =	sadd.s32 s31, s9;
	v3 =	vmul.f32 $8.000000000e+00, v3;
	[tilespmem:s0+$0x50] =	vst v1;
	(pc) =	sbr.rel @p0 .LBB2_12-.Ltmp6, $4  }
0x9a: {  	s1 =	sshll.u32 s1, $0x3;
	v0 =	vmul.f32 $8.000000000e+00, v0;
	[tilespmem:s0+$0x40] =	vst v2  }
0x9b: {  	s1 =	sand.u32 $0x1FFFFC00, s1;
	[tilespmem:s0+$0x30] =	vst v3  }
0x9c: {  	s31 =	sadd.s32 s2, s1;
	[tilespmem:s0+$0x10] =	vst v0  }
0x9d: {  	[hbm4b:s31+s3] =	stream.linear.scatter [tilespmem:s18], [sflag:$0x8], $0x2000, $0x38;
	[tilespmem:$0xE400] =	vst v63  }
.Ltmp7:
0x9e: {  	(pc) =	sbr.rel .LBB2_2-.Ltmp7, $4  }
0x9f: {  	_ =	swait.ge [sflag:s26], $0x2000  }
0xa0: {  	s0 =	sshrl.u32 s30, $0x2;
	[sflag:s26] =	ssyncset.done $0x0  }
0xa1: {  	s29 =	sadd.s32 $0x1, s29;
	s0 =	sadd.s32 $0x380, s0;
	[sflag:s26] =	ssyncadd.s32 $0xFFFFE000  }
0xa2: {  	[tilespmem:s18], [sflag:$0x4] =	stream.indirect.gather [hbm4b:s4+s12], $0x40, s0, s12, $0xb8;
	[tilespmem:$0xE400] =	vst v63  }
.LBB2_13:
0xa3: {  	_ =	sfence.sel $0x180000  }
0xa4: {  	[bflag:$0x0] =	sbarrier.arrive $0xFFFF  }
0xa5: {  	_ =	strace $0x90000047  }
0xa6: {  	s0 =	stileid.u32;
	[bflag:$0x2] =	sbarrier.arrive $0xFFFF  }
0xa7: {  	p0 =	sne.s32 s0, $0x0;
	s0 =	rddreg [dreg:$0x2]  }
0xa8: {  	s0 =	sadd.s32 @!p0 $0x100000, s0  }
0xa9: {  	[sflag:s0] =	ssyncadd.tile.s32 @!p0 $0x1;
	_ =	shalt  }
.Lfunc_end2:
_tile_overlayer_lowered:
.L_overlay_start_2:
0xaa: {  	(tag) =	ssettag $0x2  }
0xab: {  	s0 =	rddreg [dreg:$0x0];
	s2 =	stileid.u32  }
0xac: {  	s1 =	rddreg [dreg:$0x1];
	p0 =	sne.s32 s2, $0x0  }
0xad: {  	s3 =	rddreg [dreg:$0x2];
	[bflag:$0x3] =	sbarrier.arrive $0xFFFF;
	s2 =	simm.s32 @!p0 $0x1C09  }
0xae: {  	[timem:s3], [sflag:s2] =	dma.local @!p0 [hbm:s0], s1  }
0xaf: {  	s0 =	simm.s32 @!p0 $0x9  }
0xb0: {  	_ =	swait.ge @!p0 [sflag:s0], s1  }
0xb1: {  	s1 =	ssub.s32 @!p0 $0x0, s1;
	[sflag:s0] =	ssyncset.done @!p0 $0x0  }
0xb2: {  	[sflag:s0] =	ssyncadd.s32 @!p0 s1  }
0xb3: {  	[bflag:$0x3] =	sbarrier.arrive $0xFFFF  }
0xb4: {  	_ =	shalt  }

// kernel: sparse-core-data-format-call.cloned.1.call-start
scs
called_computation_lowered:
.L_overlay_start_0:
0x0: {  	s2 =	sld [smem:$0x3FD9]  }
0x1: {  	s3 =	sld [smem:$0x3FFE];
	_ =	sdelay $0x1  }
0x2: {  	s1 =	srdreg.scid  }
0x3: {  	s0 =	sand.u32 $0x1, s1  }
0x4: {  	s18 =	sshll.u32 s0, $0xA;
	s2 =	sadd.s32 s3, s2  }
0x5: {  	s2 =	sadd.s32 s2, s18  }
0x6: {  	[smem:$0x3FC6] =	sst s2  }
0x7: {  	_ = 	snop  }
0x8: {  	s2 =	sld [smem:$0x3FD0];
	(tm) =	ssettm $0x1  }
0x9: {  	s19 =	sld [smem:$0x3FFB];
	_ =	sdelay $0x3  }
0xa: {  	_ =	strace s19  }
0xb: {  	s3 =	sld [smem:$0x3FFC];
	_ =	sdelay $0x3  }
0xc: {  	_ =	strace s3  }
0xd: {  	s3 =	sld [smem:$0x3FFD];
	_ =	sdelay $0x3  }
0xe: {  	_ =	strace s3  }
0xf: {  	_ =	strace $0x8FFFFFFF  }
0x10: {  	s20 =	sld [smem:$0x3FDB];
	_ =	sdelay $0x1  }
0x11: {  	s4 =	simm.s32 $_scs_section_size  }
0x12: {  	s5 =	simm.s32 $_size__tile_overlayer_lowered;
	s6 =	simm.s32 $_tile_overlayer_lowered  }
0x13: {  	s23 =	simm.s32 $0x1BFF;
	s22 =	sshll.u32 s6, $0x1;
	s3 =	sadd.s32 s4, s20  }
0x14: {  	s7 =	simm.s32 $0x0;
	s21 =	sshll.u32 s5, $0x1;
	s5 =	sadd.s32 s22, s3  }
0x15: {  	[timem:s7], [sflag:s23] =	dma.local [hbm:s5], s21  }
0x16: {  	_ =	swait.ge [sflag:s23], s21  }
0x17: {  	s4 =	ssub.s32 $0x0, s21;
	[sflag:s23] =	ssyncset.done $0x0  }
0x18: {  	[sflag:s23] =	ssyncadd.s32 s4;
	_ =	sdelay $0x1  }
0x19: {  	s24 =	simm.s32 $0x1B8B  }
0x1a: {  	_ =	swait.ge [sflag:s24], $0x1  }
0x1b: {  	[sflag:s24] =	ssyncset.done $0x0  }
0x1c: {  	s26 =	simm.s32 $0x1B8E;
	s25 =	sld [smem:$0x3FFE];
	[sflag:s24] =	ssyncadd.s32 $0xFFFFFFFF  }
0x1d: {  	s27 =	simm.s32 $execute0_lowered;
	[smem:$0x3FD2] =	sst s26  }
0x1e: {  	s5 =	sshll.u32 s27, $0x1;
	_ =	strace $0x80000049;
	[dreg:$0x1] =	wrdreg $0xFFFFFFFF  }
0x1f: {  	s28 =	simm.s32 $_size_execute0_lowered;
	s3 =	sadd.s32 s3, s5;
	[dreg:$0x0] =	wrdreg $0x0  }
0x20: {  	s5 =	sshll.u32 s28, $0x1;
	[dreg:$0x2] =	wrdreg s3  }
0x21: {  	[dreg:$0x3] =	wrdreg s5  }
0x22: {  	[dreg:$0x4] =	wrdreg $0xC0  }
0x23: {  	_ =	task [dreg:s7], $0x5FFFF  }
0x24: {  	[dreg:$0x1] =	wrdreg $0xFFFFFFFF  }
0x25: {  	[dreg:$0x0] =	wrdreg $0x60  }
0x26: {  	[dreg:$0x2] =	wrdreg s25  }
0x27: {  	[dreg:$0x3] =	wrdreg s2  }
0x28: {  	[dreg:$0x4] =	wrdreg $0x9  }
0x29: {  	_ =	task.clear_ibuf [dreg:s7], $0x5FFFF;
	_ =	strace $0x90000049  }
0x2a: {  	s29 =	simm.s32 $0x9;
	_ =	strace $0x8000004B  }
0x2b: {  	_ =	swait.ge [sflag:s29], $0x1  }
0x2c: {  	[sflag:s29] =	ssyncadd.s32 $0xFFFFFFFF  }
0x2d: {  	_ =	strace $0x9000004B  }
0x2e: {  	_ =	sfence  }
0x2f: {  	s30 =	sld [smem:$0x0];
	_ =	sdelay $0x2  }
0x30: {  	s31 =	sshll.u32 s1, $0xD;
	s1 =	sshrl.u32 s1, $0x2  }
0x31: {  	s3 =	sand.u32 $0x4000, s31;
	s1 =	sadd.s32 s1, s30  }
0x32: {  	s0 =	sor.u32 s3, s0;
	s1 =	sshll.u32 s1, $0x11  }
0x33: {  	s0 =	sor.u32 s1, s0  }
0x34: {  	s0 =	sadd.s32 $0x8F2B, s0  }
0x35: {  	[sflag:s0] =	ssyncadd.remote.s32 $0x1  }
0x36: {  	_ =	sfence.sel $0xFFFF  }
0x37: {  	[dreg:$0x0] =	wrdreg $0xFFFFFFFF;
	(pc) =	sbr.abs _section_cstart, $3  }
0x38: {  	[dreg:$0x1] =	wrdreg $0xFFFFFFFF  }
0x39: {  	_ =	task.clear_ibuf [dreg:s7], $0x2FFFF;
	_ =	strace $0x9FFFFFFF  }
0x3a: {  	(tm) =	ssettm $0x7FFFFFFF  }
0x3b: {  	_ =	shalt  }
tec
execute0_lowered:
.L_overlay_start_1:
0x0: {  	(tag) =	ssettag $0x1  }
0x1: {  	s0 =	srdreg.scid  }
0x2: {  	s1 =	sshll.u32 s0, $0x4  }
0x3: {  	s0 =	stileid.u32;
	s1 =	sand.u32 $0x10, s1  }
0x4: {  	s1 =	sor.u32 s0, s1  }
0x5: {  	s6 =	rddreg [dreg:$0x0];
	s4 =	simm.s32 $0x1;
	s2 =	sshll.u32 s1, $0x7  }
0x6: {  	s7 =	simm.s32 $0x2;
	s12 =	simm.s32 $0x0;
	s1 =	ssub.s32 $0x1000, s2  }
0x7: {  	s8 =	simm.s32 $0x8000;
	s13 =	simm.s32 $0x0;
	s3 =	sand.u32 $0xF80, s1  }
0x8: {  	s9 =	simm.s32 $0x0;
	s5 =	sshrl.u32 s1, $0xC;
	p0 =	sne.s32 s3, $0x0  }
.Ltmp0:
0x9: {  	s1 =	rddreg [dreg:$0x2];
	s4 =	simm.s32 @!p0 $0x0;
	(pc) =	sbr.rel .LBB1_1-.Ltmp0, $4  }
0xa: {  	s11 =	simm.s32 $0x0;
	s3 =	rddreg [dreg:$0x1];
	s5 =	sadd.s32 s4, s5  }
0xb: {  	_ =	strace $0x8000004A;
	s4 =	simm.s32 $0x1;
	s5 =	smul.u32 $0xC8, s5  }
0xc: {  	s6 =	sadd.s32 $0xA00, s6;
	s10 =	smov.u32 s2;
	[sflag:s4] =	ssyncpa.u1 $0x0  }
0xd: {  	p0 =	por $0x0, $0x0;
	[sflag:s7] =	ssyncpa.u1 $0x0;
	s7 =	sor.u32 $0x1, s5  }
.LBB1_4:
0xe: {  	s16 =	sshll.u32 s13, $0x3;
	s17 =	sand.u32 $0x78, s13  }
0xf: {  	s30 =	sand.u32 $0x7E00, s13;
	s12 =	sshll.u32 s12, $0xF;
	s16 =	sand.u32 $0xC00, s16  }
0x10: {  	[tilespmem:s15+$0x810 ss:$0x81] =	vst.msk $0xffff, v2;
	s31 =	sand.u32 $0x7, s13;
	s16 =	sor.u32 s17, s16;
	s17 =	sadd.s32 s3, s30  }
0x11: {  	[tilespmem:s15+$0x1020 ss:$0x81] =	vst.msk $0xffff, v0;
	s13 =	sshll.u32 s31, $0x12;
	s12 =	sadd.s32 s12, s17;
	s16 =	sshrl.u32 s16, $0x3  }
0x12: {  	[tilespmem:s15+$0x0 ss:$0x81] =	vst.msk $0xffff, v1;
	s13 =	sor.u32 $0x400, s13;
	s12 =	sadd.s32 s16, s12  }
0x13: {  	[hbm4b:s12+s13] =	stream.strided.scatter [tilespmem:s14], [sflag:$0x2], $0x2000, s8, s13, $0x20;
	[tilespmem:$0x8080] =	vst v63  }
.LBB1_5:
0x14: {  	s14 =	sadd.s32 $0x1, s9  }
0x15: {  	s12 =	sadd.s32 $0x1000, s10;
	s16 =	smov.u32 s10;
	p2 =	sgt.s32 s14, $0xC7  }
0x16: {  	s16 =	smov.u32 @p2 s12  }
0x17: {  	s14 =	simm.s32 @p2 $0x0;
	p2 =	sgt.s32 s16, $0xFFF  }
0x18: {  	s16 =	smov.u32 @p2 s2;
	p2 =	sne.s32 s11, s7  }
.Ltmp1:
0x19: {  	p1 =	slt.u32 s11, $0x2;
	(pc) =	sbr.rel @!p2 .LBB1_6-.Ltmp1, $4  }
0x1a: {  	s15 =	simm.s32 @!p1 $0x2  }
0x1b: {  	s13 =	smov.u32 s10;
	p0 =	por !p0, !p0;
	_ =	swait.ge @!p1 [sflag:s15], $0x2000  }
0x1c: {  	s12 =	smov.u32 s9;
	[sflag:s15] =	ssyncset.done @!p1 $0x0;
	s9 =	smov.u32 s14  }
0x1d: {  	s11 =	sadd.s32 $0x1, s11;
	[sflag:s15] =	ssyncadd.s32 @!p1 $0xFFFFE000;
	s10 =	smov.u32 s16  }
.LBB1_1:
0x1e: {  	p1 =	sge.u32 s11, s5  }
0x1f: {  	s14 =	sand.u32 @!p1 $0x1FFFFFF, s9  }
0x20: {  	s15 =	smulhi.u32 @!p1 $0x147AE15, s14;
	_ =	sdelay $0x1  }
0x21: {  	s15 =	smul.u32 @!p1 $0xC8, s15  }
0x22: {  	s16 =	sxor.u32 @!p1 $0xFFFFFFFF, s11;
	s17 =	smul.u32 @!p1 $0xC80, s10  }
0x23: {  	s31 =	sadd.s32 $0xFFFFFFFF, s11;
	s16 =	sshll.u32 @!p1 s16, $0xD;
	s14 =	ssub.s32 @!p1 s14, s15  }
0x24: {  	s15 =	sand.u32 @!p1 $0x2000, s16;
	s16 =	sadd.s32 @!p1 s6, s17;
	s14 =	sshll.u32 @!p1 s14, $0x4  }
0x25: {  	s17 =	simm.s32 @!p1 $0x6400;
	s14 =	sadd.s32 @!p1 s14, s16;
	s16 =	simm.s32 @!p1 $0x40  }
0x26: {  	[tilespmem:s15], [sflag:$0x1] =	stream.strided.gather @!p1 [hbm4b:s14+s16], $0x2000, s17, s16, $0x38;
	[tilespmem:$0x8080] =	vst v63  }
0x27: {  	p1 =	sge.u32 s31, s5  }
.Ltmp2:
0x28: {  	_ = 	snop;
	(pc) =	sbr.rel @p1 .LBB1_5-.Ltmp2, $1  }
0x29: {  	_ =	sdelay $0x3  }
0x2a: {  	s14 =	simm.s32 $0x1  }
0x2b: {  	_ =	swait.ge [sflag:s4], $0x2000;
	s14 =	simm.s32 @!p0 $0x0  }
0x2c: {  	[sflag:s4] =	ssyncset.done $0x0;
	s15 =	sshll.u32 s14, $0xD  }
0x2d: {  	[sflag:s4] =	ssyncadd.s32 $0xFFFFE000;
	s18 =	sor.u32 $0x20, s15  }
0x2e: {  	s14 =	smul.u32 $0x8100, s14;
	v3 =	vld [tilespmem:s18+$0x10]  }
0x2f: {  	s30 =	sand.u32 $0x1, s11;
	v2 =	vld [tilespmem:s18+$0xFFFFFFF0]  }
0x30: {  	s15 =	smul.u32 $0x8100, s30;
	s14 =	sshrl.u32 s14, $0x2;
	v0 =	vld [tilespmem:s18+$0x0]  }
0x31: {  	v1 =	vld [tilespmem:s18+$0xFFFFFFE0];
	s16 =	sor.u32 $0x4000, s14  }
0x32: {  	s31 =	sshrl.u32 s15, $0x2;
	s15 =	sadd.s32 $0x0, s16  }
0x33: {  	s17 =	simm.s32 $0x4;
	s18 =	sadd.s32 $0x40, s18;
	s14 =	sor.u32 $0x4000, s31;
	[tilespmem:s15+$0x1830 ss:$0x81] =	vst.msk $0xffff, v3  }
.LBB1_3:
0x34: {  	v3 =	vld [tilespmem:s18+$0x10];
	p1 =	sne.s32 s17, $0x1FC;
	[tilespmem:s15+$0x810 ss:$0x81] =	vst.msk $0xffff, v2;
	s19 =	smov.u32 s17;
	s17 =	sadd.s32 $0x4, s17  }
.Ltmp3:
0x35: {  	v2 =	vld [tilespmem:s18+$0xFFFFFFF0];
	[tilespmem:s15+$0x1020 ss:$0x81] =	vst.msk $0xffff, v0;
	(pc) =	sbr.rel @p1 .LBB1_3-.Ltmp3, $4  }
0x36: {  	v0 =	vld [tilespmem:s18+$0x0];
	[tilespmem:s15+$0x0 ss:$0x81] =	vst.msk $0xffff, v1  }
0x37: {  	s15 =	sshra.s32 s19, $0x2;
	v1 =	vld [tilespmem:s18+$0xFFFFFFE0]  }
0x38: {  	s15 =	sadd.s32 s15, s16  }
0x39: {  	s18 =	sadd.s32 $0x40, s18;
	[tilespmem:s15+$0x1830 ss:$0x81] =	vst.msk $0xffff, v3  }
.Ltmp4:
0x3a: {  	_ = 	snop;
	(pc) =	sbr.rel .LBB1_4-.Ltmp4, $1  }
0x3b: {  	_ =	sdelay $0x3  }
.LBB1_6:
0x3c: {  	_ =	sfence.sel $0x180000  }
0x3d: {  	s2 =	simm.s32 $0x1;
	[bflag:$0x0] =	sbarrier.arrive $0xFFFF  }
0x3e: {  	s31 =	simm.s32 $0x2;
	[sflag:s2] =	ssyncpa.u1 $0x1  }
0x3f: {  	[sflag:s31] =	ssyncpa.u1 $0x1  }
0x40: {  	p0 =	sne.s32 s0, $0x0;
	_ =	strace $0x9000004A  }
0x41: {  	s0 =	sadd.s32 @!p0 $0x100000, s1;
	[bflag:$0x2] =	sbarrier.arrive $0xFFFF  }
0x42: {  	[sflag:s0] =	ssyncadd.tile.s32 @!p0 $0x1;
	_ =	shalt  }
.Lfunc_end1:
_tile_overlayer_lowered:
.L_overlay_start_2:
0x43: {  	(tag) =	ssettag $0x2  }
0x44: {  	s0 =	rddreg [dreg:$0x0];
	s2 =	stileid.u32  }
0x45: {  	s1 =	rddreg [dreg:$0x1];
	p0 =	sne.s32 s2, $0x0  }
0x46: {  	s3 =	rddreg [dreg:$0x2];
	[bflag:$0x3] =	sbarrier.arrive $0xFFFF;
	s2 =	simm.s32 @!p0 $0x1C01  }
0x47: {  	[timem:s3], [sflag:s2] =	dma.local @!p0 [hbm:s0], s1  }
0x48: {  	s0 =	simm.s32 @!p0 $0x1  }
0x49: {  	_ =	swait.ge @!p0 [sflag:s0], s1  }
0x4a: {  	s1 =	ssub.s32 @!p0 $0x0, s1;
	[sflag:s0] =	ssyncset.done @!p0 $0x0  }
0x4b: {  	[sflag:s0] =	ssyncadd.s32 @!p0 s1  }
0x4c: {  	[bflag:$0x3] =	sbarrier.arrive $0xFFFF  }
0x4d: {  	_ =	shalt  }

</sc_bundles>
